<compile_context>
chip_gen: v7x
topology: tpu7x:2x2x1
jax: 0.10.2.dev20260603
libtpu: 0.0.44.dev20260713+nightly
codegen_flags: <defaults>
</compile_context>

<pallas_src>
import functools

import jax
import jax.numpy as jnp
from jax import lax
from jax.experimental import pallas as pl
from jax.experimental.pallas import tpu as pltpu
from jax.experimental.pallas import tpu_sc as plsc

N = 10000
E = 160000
D = 256
DH = 128
NACC = 10240
K = 128
NCH = 80
EPAD = 16 * NCH * K
RPT = NACC // 16
L = 16



def _make_agg(compute_deg: bool):
    mesh = plsc.VectorSubcoreMesh(core_axis_name="c", subcore_axis_name="s")
    out_type = [jax.ShapeDtypeStruct((2, NACC, DH), jnp.float32)]
    if compute_deg:
        out_type.append(jax.ShapeDtypeStruct((NACC,), jnp.float32))
    scratch = [
        pltpu.VMEM((NCH, K), jnp.int32),
        pltpu.VMEM((NCH, K), jnp.int32),
        pltpu.VMEM((K, DH), jnp.float32),
        pltpu.VMEM((RPT,), jnp.float32),
        pltpu.VMEM((K,), jnp.float32),
        pltpu.VMEM_SHARED((NACC, DH), jnp.float32),
        pltpu.VMEM_SHARED((NACC,), jnp.float32),
        pltpu.SemaphoreType.DMA,
    ]

    @functools.partial(pl.kernel, mesh=mesh, out_type=out_type,
                       scratch_types=scratch)
    def agg(h2, srcs, dsts, *rest):
        if compute_deg:
            out, deg_out = rest[0], rest[1]
            (src_v, dst_v, rows_v, zero1_v, ones_v,
             acc, dacc, sem) = rest[2:]
        else:
            out = rest[0]
            deg_out = None
            (src_v, dst_v, rows_v, zero1_v, ones_v,
             acc, dacc, sem) = rest[1:]

        c = lax.axis_index("c")
        s = lax.axis_index("s")
        t0 = s * RPT

        def zrow(i, carry):
            for q in range(DH // L):
                rows_v[i, pl.ds(q * L, L)] = jnp.zeros((L,), jnp.float32)
            return carry
        lax.fori_loop(0, K, zrow, 0)

        def z1(i, carry):
            zero1_v[pl.ds(i * L, L)] = jnp.zeros((L,), jnp.float32)
            return carry
        lax.fori_loop(0, RPT // L, z1, 0)

        for q in range(K // L):
            ones_v[pl.ds(q * L, L)] = jnp.full((L,), 1.0, jnp.float32)

        for b in range(RPT // K):
            pltpu.sync_copy(rows_v, acc.at[pl.ds(t0 + b * K, K)])
        pltpu.sync_copy(zero1_v, dacc.at[pl.ds(t0, RPT)])
        plsc.subcore_barrier()

        pltpu.sync_copy(srcs.at[c, pl.ds(s * NCH, NCH)], src_v)
        pltpu.sync_copy(dsts.at[pl.ds(s * NCH, NCH)], dst_v)

        def body(j, carry):
            pltpu.async_copy(h2.at[src_v.at[j]], rows_v, sem).wait()
            pltpu.sync_copy(rows_v, acc.at[dst_v.at[j]], add=True)
            if compute_deg:
                @pl.when(c == 0)
                def _():
                    pltpu.sync_copy(ones_v, dacc.at[dst_v.at[j]], add=True)
            return carry
        lax.fori_loop(0, NCH, body, 0)

        plsc.subcore_barrier()

        pltpu.sync_copy(acc.at[pl.ds(t0, RPT)], out.at[c, pl.ds(t0, RPT)])
        if compute_deg:
            @pl.when(c == 0)
            def _():
                pltpu.sync_copy(dacc.at[pl.ds(t0, RPT)],
                                deg_out.at[pl.ds(t0, RPT)])

    return agg


_agg_deg = _make_agg(True)
_agg = _make_agg(False)



RB = 1024


def _tc_body(s3, h3, deg, Wl, Wr, b2, out, *, split_out):
    sv = s3[...]
    hv = h3[...]
    wl = Wl[...]
    wr = Wr[...]
    aggw = (jnp.dot(sv[0], wl[:DH], preferred_element_type=jnp.float32)
            + jnp.dot(sv[1], wl[DH:], preferred_element_type=jnp.float32))
    scale = 1.0 / jnp.maximum(deg[...], 1.0)
    r = (aggw * scale
         + jnp.dot(hv[0], wr[:DH], preferred_element_type=jnp.float32)
         + jnp.dot(hv[1], wr[DH:], preferred_element_type=jnp.float32)
         + b2[...][0])
    r = jnp.maximum(r, 0.0)
    out[...] = r[None] if split_out else r


def _tc_layer(split_out: bool):
    grid = (NACC // RB, 2)
    in_specs = [
        pl.BlockSpec((2, RB, DH), lambda i, c: (0, i, 0)),
        pl.BlockSpec((2, RB, DH), lambda i, c: (0, i, 0)),
        pl.BlockSpec((RB, 1), lambda i, c: (i, 0)),
        pl.BlockSpec((D, DH), lambda i, c: (0, c)),
        pl.BlockSpec((D, DH), lambda i, c: (0, c)),
        pl.BlockSpec((1, 1, DH), lambda i, c: (c, 0, 0)),
    ]
    if split_out:
        out_shape = jax.ShapeDtypeStruct((2, NACC, DH), jnp.float32)
        out_spec = pl.BlockSpec((1, RB, DH), lambda i, c: (c, i, 0))
    else:
        out_shape = jax.ShapeDtypeStruct((NACC, D), jnp.float32)
        out_spec = pl.BlockSpec((RB, DH), lambda i, c: (i, c))
    body = functools.partial(_tc_body, split_out=split_out)
    return pl.pallas_call(body, grid=grid, in_specs=in_specs,
                          out_specs=out_spec, out_shape=out_shape)


_tc_mid = _tc_layer(True)
_tc_last = _tc_layer(False)



def kernel(x, edge_index, Wl1, Wr1, b1, Wl2, Wr2, b2, Wl3, Wr3, b3):
    src = edge_index[0].astype(jnp.int32)
    dst = edge_index[1].astype(jnp.int32)
    pad = EPAD - E
    srcp = jnp.concatenate([src, jnp.zeros((pad,), jnp.int32)])
    dstp = jnp.concatenate([dst, jnp.full((pad,), N, jnp.int32)])
    srcs = jnp.stack([srcp, srcp + NACC]).reshape(2, 16 * NCH, K)
    dsts = dstp.reshape(16 * NCH, K)

    xp = jnp.pad(x, ((0, NACC - N), (0, 0)))
    h3 = xp.reshape(NACC, 2, DH).transpose(1, 0, 2)

    summed3, deg = _agg_deg(h3.reshape(2 * NACC, DH), srcs, dsts)
    deg2 = deg.reshape(NACC, 1)

    h3 = _tc_mid(summed3, h3, deg2, Wl1, Wr1, b1.reshape(2, 1, DH))
    summed3, = _agg(h3.reshape(2 * NACC, DH), srcs, dsts)
    h3 = _tc_mid(summed3, h3, deg2, Wl2, Wr2, b2.reshape(2, 1, DH))
    summed3, = _agg(h3.reshape(2 * NACC, DH), srcs, dsts)
    out = _tc_last(summed3, h3, deg2, Wl3, Wr3, b3.reshape(2, 1, DH))
    return out[:N]

# --- scband reference (transcript-rebuilt; emitter-appended) ---
"""Pipeline reference for scband-graph-sage-84825604096156 (READ-ONLY COPY).

The authoritative reference and input builder live on the scoring server;
editing this copy changes nothing except your own understanding.
"""

import jax, jax.numpy as jnp
import numpy as np

N = 10000
E = 160000
D = 256
H = 256
O = 256


def setup_inputs(seed: int = 0) -> dict:
    key = jax.random.key(seed)
    ks = jax.random.split(key, 12)
    x = jax.random.normal(ks[0], (N, D), dtype=jnp.float32)
    edge_index = jax.random.randint(ks[1], (2, E), 0, N, dtype=jnp.int64)
    s = 0.05
    params = {
        'Wl1': jax.random.normal(ks[2], (D, H), dtype=jnp.float32) * s,
        'Wr1': jax.random.normal(ks[3], (D, H), dtype=jnp.float32) * s,
        'b1': jnp.zeros((H,), dtype=jnp.float32),
        'Wl2': jax.random.normal(ks[4], (H, H), dtype=jnp.float32) * s,
        'Wr2': jax.random.normal(ks[5], (H, H), dtype=jnp.float32) * s,
        'b2': jnp.zeros((H,), dtype=jnp.float32),
        'Wl3': jax.random.normal(ks[6], (H, O), dtype=jnp.float32) * s,
        'Wr3': jax.random.normal(ks[7], (H, O), dtype=jnp.float32) * s,
        'b3': jnp.zeros((O,), dtype=jnp.float32),
    }
    return {'x': x, 'edge_index': edge_index, **params}


def _sage_conv(h, src, dst, Wl, Wr, b):
    # PyG SAGEConv(aggr='mean'): out = lin_l(mean_{j in N(i)} x_j) + lin_r(x_i)
    msgs = jnp.take(h, src, axis=0)                        # gather [E, d]
    summed = jax.ops.segment_sum(msgs, dst, num_segments=N)  # scatter-add [N, d]
    deg = jax.ops.segment_sum(jnp.ones((src.shape[0],), dtype=h.dtype), dst, num_segments=N)
    agg = summed / jnp.clip(deg, 1.0, None)[:, None]
    return agg @ Wl + b + h @ Wr


def reference(x, edge_index, Wl1, Wr1, b1, Wl2, Wr2, b2, Wl3, Wr3, b3):
    src = edge_index[0]
    dst = edge_index[1]
    h = jax.nn.relu(_sage_conv(x, src, dst, Wl1, Wr1, b1))
    # dropout_rate=0.0 -> identity (eval)
    h = jax.nn.relu(_sage_conv(h, src, dst, Wl2, Wr2, b2))
    h = jax.nn.relu(_sage_conv(h, src, dst, Wl3, Wr3, b3))
    return h

if __name__ == "__main__":
    import jax
    _d = setup_inputs()
    print(jax.jit(kernel)(*tuple(_d.values())))

</pallas_src>

<mosaic_0001>
#map = affine_map<(d0, d1) -> (0, 0)>
#map1 = affine_map<(d0, d1) -> (0, 0, 0)>
module attributes {stable_mosaic.version = 14 : i64} {
  func.func @agg(%arg0: i32, %arg1: i32, %arg2: memref<20480x128xf32, #tpu.memory_space<hbm>>, %arg3: memref<2x1280x128xi32, #tpu.memory_space<hbm>>, %arg4: memref<1280x128xi32, #tpu.memory_space<hbm>>, %arg5: memref<2x10240x128xf32, #tpu.memory_space<hbm>>, %arg6: memref<80x128xi32, #tpu.memory_space<vmem>>, %arg7: memref<80x128xi32, #tpu.memory_space<vmem>>, %arg8: memref<128x128xf32, #tpu.memory_space<vmem>>, %arg9: memref<640xf32, #tpu.memory_space<vmem>>, %arg10: memref<128xf32, #tpu.memory_space<vmem>>, %arg11: memref<10240x128xf32, #tpu.memory_space<vmem_shared>>, %arg12: memref<10240xf32, #tpu.memory_space<vmem_shared>>, %arg13: memref<!tpu.dma_semaphore, #tpu.memory_space<semaphore_mem>>) attributes {dimension_semantics = [#tpu.dimension_semantics<core_parallel>, #tpu.dimension_semantics<subcore_parallel>], iteration_bounds = array<i64: 2, 16>, scalar_prefetch = 0 : i64, scratch_operands = 8 : i64, tpu.core_type = #tpu.core_type<sc_vector_subcore>, window_params = [{transform_indices = #map}, {transform_indices = #map1}, {transform_indices = #map}, {transform_indices = #map1}]} {
    %mul3A = arith.constant 640 : i32
    %mul3A_0 = arith.muli %arg1, %mul3A : i32
    %scan3A = arith.constant 0 : i32
    %scan3A_1 = arith.constant 0 : i32
    %scan3A_2 = arith.constant 128 : i32
    %scan3A_3 = arith.addi %scan3A_1, %scan3A_2 : i32
    %scan3A_4 = arith.constant 1 : i32
    scf.for %scan3A_78 = %scan3A_1 to %scan3A_3 step %scan3A_4  : i32 {
      %broadcast_in_dim3A_79 = arith.constant 0.000000e+00 : f32
      %broadcast_in_dim3A_80 = vector.broadcast %broadcast_in_dim3A_79 : f32 to vector<16xf32>
      %swap3A_81 = arith.index_cast %scan3A_78 : i32 to index
      %swap3A_82 = arith.constant 0 : index
      %swap3A_83 = tpu.vector_load %arg8[%swap3A_81, %swap3A_82] {strides = array<i32>} : memref<128x128xf32, #tpu.memory_space<vmem>>, vector<1x16xf32>,
      %swap3A_84 = vector.shape_cast %swap3A_83 : vector<1x16xf32> to vector<16xf32>
      %swap3A_85 = vector.shape_cast %broadcast_in_dim3A_80 : vector<16xf32> to vector<1x16xf32>
      tpu.vector_store %arg8[%swap3A_81, %swap3A_82], %swap3A_85 {strides = array<i32>} : memref<128x128xf32, #tpu.memory_space<vmem>>, vector<1x16xf32>,
      %broadcast_in_dim3A_86 = arith.constant 0.000000e+00 : f32
      %broadcast_in_dim3A_87 = vector.broadcast %broadcast_in_dim3A_86 : f32 to vector<16xf32>
      %swap3A_88 = arith.index_cast %scan3A_78 : i32 to index
      %swap3A_89 = arith.constant 16 : index
      %swap3A_90 = tpu.vector_load %arg8[%swap3A_88, %swap3A_89] {strides = array<i32>} : memref<128x128xf32, #tpu.memory_space<vmem>>, vector<1x16xf32>,
      %swap3A_91 = vector.shape_cast %swap3A_90 : vector<1x16xf32> to vector<16xf32>
      %swap3A_92 = vector.shape_cast %broadcast_in_dim3A_87 : vector<16xf32> to vector<1x16xf32>
      tpu.vector_store %arg8[%swap3A_88, %swap3A_89], %swap3A_92 {strides = array<i32>} : memref<128x128xf32, #tpu.memory_space<vmem>>, vector<1x16xf32>,
      %broadcast_in_dim3A_93 = arith.constant 0.000000e+00 : f32
      %broadcast_in_dim3A_94 = vector.broadcast %broadcast_in_dim3A_93 : f32 to vector<16xf32>
      %swap3A_95 = arith.index_cast %scan3A_78 : i32 to index
      %swap3A_96 = arith.constant 32 : index
      %swap3A_97 = tpu.vector_load %arg8[%swap3A_95, %swap3A_96] {strides = array<i32>} : memref<128x128xf32, #tpu.memory_space<vmem>>, vector<1x16xf32>,
      %swap3A_98 = vector.shape_cast %swap3A_97 : vector<1x16xf32> to vector<16xf32>
      %swap3A_99 = vector.shape_cast %broadcast_in_dim3A_94 : vector<16xf32> to vector<1x16xf32>
      tpu.vector_store %arg8[%swap3A_95, %swap3A_96], %swap3A_99 {strides = array<i32>} : memref<128x128xf32, #tpu.memory_space<vmem>>, vector<1x16xf32>,
      %broadcast_in_dim3A_100 = arith.constant 0.000000e+00 : f32
      %broadcast_in_dim3A_101 = vector.broadcast %broadcast_in_dim3A_100 : f32 to vector<16xf32>
      %swap3A_102 = arith.index_cast %scan3A_78 : i32 to index
      %swap3A_103 = arith.constant 48 : index
      %swap3A_104 = tpu.vector_load %arg8[%swap3A_102, %swap3A_103] {strides = array<i32>} : memref<128x128xf32, #tpu.memory_space<vmem>>, vector<1x16xf32>,
      %swap3A_105 = vector.shape_cast %swap3A_104 : vector<1x16xf32> to vector<16xf32>
      %swap3A_106 = vector.shape_cast %broadcast_in_dim3A_101 : vector<16xf32> to vector<1x16xf32>
      tpu.vector_store %arg8[%swap3A_102, %swap3A_103], %swap3A_106 {strides = array<i32>} : memref<128x128xf32, #tpu.memory_space<vmem>>, vector<1x16xf32>,
      %broadcast_in_dim3A_107 = arith.constant 0.000000e+00 : f32
      %broadcast_in_dim3A_108 = vector.broadcast %broadcast_in_dim3A_107 : f32 to vector<16xf32>
      %swap3A_109 = arith.index_cast %scan3A_78 : i32 to index
      %swap3A_110 = arith.constant 64 : index
      %swap3A_111 = tpu.vector_load %arg8[%swap3A_109, %swap3A_110] {strides = array<i32>} : memref<128x128xf32, #tpu.memory_space<vmem>>, vector<1x16xf32>,
      %swap3A_112 = vector.shape_cast %swap3A_111 : vector<1x16xf32> to vector<16xf32>
      %swap3A_113 = vector.shape_cast %broadcast_in_dim3A_108 : vector<16xf32> to vector<1x16xf32>
      tpu.vector_store %arg8[%swap3A_109, %swap3A_110], %swap3A_113 {strides = array<i32>} : memref<128x128xf32, #tpu.memory_space<vmem>>, vector<1x16xf32>,
      %broadcast_in_dim3A_114 = arith.constant 0.000000e+00 : f32
      %broadcast_in_dim3A_115 = vector.broadcast %broadcast_in_dim3A_114 : f32 to vector<16xf32>
      %swap3A_116 = arith.index_cast %scan3A_78 : i32 to index
      %swap3A_117 = arith.constant 80 : index
      %swap3A_118 = tpu.vector_load %arg8[%swap3A_116, %swap3A_117] {strides = array<i32>} : memref<128x128xf32, #tpu.memory_space<vmem>>, vector<1x16xf32>,
      %swap3A_119 = vector.shape_cast %swap3A_118 : vector<1x16xf32> to vector<16xf32>
      %swap3A_120 = vector.shape_cast %broadcast_in_dim3A_115 : vector<16xf32> to vector<1x16xf32>
      tpu.vector_store %arg8[%swap3A_116, %swap3A_117], %swap3A_120 {strides = array<i32>} : memref<128x128xf32, #tpu.memory_space<vmem>>, vector<1x16xf32>,
      %broadcast_in_dim3A_121 = arith.constant 0.000000e+00 : f32
      %broadcast_in_dim3A_122 = vector.broadcast %broadcast_in_dim3A_121 : f32 to vector<16xf32>
      %swap3A_123 = arith.index_cast %scan3A_78 : i32 to index
      %swap3A_124 = arith.constant 96 : index
      %swap3A_125 = tpu.vector_load %arg8[%swap3A_123, %swap3A_124] {strides = array<i32>} : memref<128x128xf32, #tpu.memory_space<vmem>>, vector<1x16xf32>,
      %swap3A_126 = vector.shape_cast %swap3A_125 : vector<1x16xf32> to vector<16xf32>
      %swap3A_127 = vector.shape_cast %broadcast_in_dim3A_122 : vector<16xf32> to vector<1x16xf32>
      tpu.vector_store %arg8[%swap3A_123, %swap3A_124], %swap3A_127 {strides = array<i32>} : memref<128x128xf32, #tpu.memory_space<vmem>>, vector<1x16xf32>,
      %broadcast_in_dim3A_128 = arith.constant 0.000000e+00 : f32
      %broadcast_in_dim3A_129 = vector.broadcast %broadcast_in_dim3A_128 : f32 to vector<16xf32>
      %swap3A_130 = arith.index_cast %scan3A_78 : i32 to index
      %swap3A_131 = arith.constant 112 : index
      %swap3A_132 = tpu.vector_load %arg8[%swap3A_130, %swap3A_131] {strides = array<i32>} : memref<128x128xf32, #tpu.memory_space<vmem>>, vector<1x16xf32>,
      %swap3A_133 = vector.shape_cast %swap3A_132 : vector<1x16xf32> to vector<16xf32>
      %swap3A_134 = vector.shape_cast %broadcast_in_dim3A_129 : vector<16xf32> to vector<1x16xf32>
      tpu.vector_store %arg8[%swap3A_130, %swap3A_131], %swap3A_134 {strides = array<i32>} : memref<128x128xf32, #tpu.memory_space<vmem>>, vector<1x16xf32>,
    }
    %scan3A_5 = arith.constant 128 : i32
    %scan3A_6 = arith.constant 0 : i32
    %scan3A_7 = arith.constant 0 : i32
    %scan3A_8 = arith.constant 40 : i32
    %scan3A_9 = arith.addi %scan3A_7, %scan3A_8 : i32
    %scan3A_10 = arith.constant 1 : i32
    scf.for %scan3A_78 = %scan3A_7 to %scan3A_9 step %scan3A_10  : i32 {
      %broadcast_in_dim3A_79 = arith.constant 0.000000e+00 : f32
      %broadcast_in_dim3A_80 = vector.broadcast %broadcast_in_dim3A_79 : f32 to vector<16xf32>
      %mul3A_81 = arith.constant 16 : i32
      %mul3A_82 = arith.muli %scan3A_78, %mul3A_81 : i32
      %swap3A_83 = arith.index_cast %mul3A_82 : i32 to index
      %swap3A_84 = tpu.vector_load %arg9[%swap3A_83] {strides = array<i32>} : memref<640xf32, #tpu.memory_space<vmem>>, vector<16xf32>,
      %swap3A_85 = vector.shape_cast %swap3A_84 : vector<16xf32> to vector<16xf32>
      %swap3A_86 = vector.shape_cast %broadcast_in_dim3A_80 : vector<16xf32> to vector<16xf32>
      tpu.vector_store %arg9[%swap3A_83], %swap3A_86 {strides = array<i32>} : memref<640xf32, #tpu.memory_space<vmem>>, vector<16xf32>,
    }
    %scan3A_11 = arith.constant 40 : i32
    %broadcast_in_dim3A = arith.constant 1.000000e+00 : f32
    %broadcast_in_dim3A_12 = vector.broadcast %broadcast_in_dim3A : f32 to vector<16xf32>
    %swap3A = arith.constant 0 : index
    %swap3A_13 = tpu.vector_load %arg10[%swap3A] {strides = array<i32>} : memref<128xf32, #tpu.memory_space<vmem>>, vector<16xf32>,
    %swap3A_14 = vector.shape_cast %swap3A_13 : vector<16xf32> to vector<16xf32>
    %swap3A_15 = vector.shape_cast %broadcast_in_dim3A_12 : vector<16xf32> to vector<16xf32>
    tpu.vector_store %arg10[%swap3A], %swap3A_15 {strides = array<i32>} : memref<128xf32, #tpu.memory_space<vmem>>, vector<16xf32>,
    %broadcast_in_dim3A_16 = arith.constant 1.000000e+00 : f32
    %broadcast_in_dim3A_17 = vector.broadcast %broadcast_in_dim3A_16 : f32 to vector<16xf32>
    %swap3A_18 = arith.constant 16 : index
    %swap3A_19 = tpu.vector_load %arg10[%swap3A_18] {strides = array<i32>} : memref<128xf32, #tpu.memory_space<vmem>>, vector<16xf32>,
    %swap3A_20 = vector.shape_cast %swap3A_19 : vector<16xf32> to vector<16xf32>
    %swap3A_21 = vector.shape_cast %broadcast_in_dim3A_17 : vector<16xf32> to vector<16xf32>
    tpu.vector_store %arg10[%swap3A_18], %swap3A_21 {strides = array<i32>} : memref<128xf32, #tpu.memory_space<vmem>>, vector<16xf32>,
    %broadcast_in_dim3A_22 = arith.constant 1.000000e+00 : f32
    %broadcast_in_dim3A_23 = vector.broadcast %broadcast_in_dim3A_22 : f32 to vector<16xf32>
    %swap3A_24 = arith.constant 32 : index
    %swap3A_25 = tpu.vector_load %arg10[%swap3A_24] {strides = array<i32>} : memref<128xf32, #tpu.memory_space<vmem>>, vector<16xf32>,
    %swap3A_26 = vector.shape_cast %swap3A_25 : vector<16xf32> to vector<16xf32>
    %swap3A_27 = vector.shape_cast %broadcast_in_dim3A_23 : vector<16xf32> to vector<16xf32>
    tpu.vector_store %arg10[%swap3A_24], %swap3A_27 {strides = array<i32>} : memref<128xf32, #tpu.memory_space<vmem>>, vector<16xf32>,
    %broadcast_in_dim3A_28 = arith.constant 1.000000e+00 : f32
    %broadcast_in_dim3A_29 = vector.broadcast %broadcast_in_dim3A_28 : f32 to vector<16xf32>
    %swap3A_30 = arith.constant 48 : index
    %swap3A_31 = tpu.vector_load %arg10[%swap3A_30] {strides = array<i32>} : memref<128xf32, #tpu.memory_space<vmem>>, vector<16xf32>,
    %swap3A_32 = vector.shape_cast %swap3A_31 : vector<16xf32> to vector<16xf32>
    %swap3A_33 = vector.shape_cast %broadcast_in_dim3A_29 : vector<16xf32> to vector<16xf32>
    tpu.vector_store %arg10[%swap3A_30], %swap3A_33 {strides = array<i32>} : memref<128xf32, #tpu.memory_space<vmem>>, vector<16xf32>,
    %broadcast_in_dim3A_34 = arith.constant 1.000000e+00 : f32
    %broadcast_in_dim3A_35 = vector.broadcast %broadcast_in_dim3A_34 : f32 to vector<16xf32>
    %swap3A_36 = arith.constant 64 : index
    %swap3A_37 = tpu.vector_load %arg10[%swap3A_36] {strides = array<i32>} : memref<128xf32, #tpu.memory_space<vmem>>, vector<16xf32>,
    %swap3A_38 = vector.shape_cast %swap3A_37 : vector<16xf32> to vector<16xf32>
    %swap3A_39 = vector.shape_cast %broadcast_in_dim3A_35 : vector<16xf32> to vector<16xf32>
    tpu.vector_store %arg10[%swap3A_36], %swap3A_39 {strides = array<i32>} : memref<128xf32, #tpu.memory_space<vmem>>, vector<16xf32>,
    %broadcast_in_dim3A_40 = arith.constant 1.000000e+00 : f32
    %broadcast_in_dim3A_41 = vector.broadcast %broadcast_in_dim3A_40 : f32 to vector<16xf32>
    %swap3A_42 = arith.constant 80 : index
    %swap3A_43 = tpu.vector_load %arg10[%swap3A_42] {strides = array<i32>} : memref<128xf32, #tpu.memory_space<vmem>>, vector<16xf32>,
    %swap3A_44 = vector.shape_cast %swap3A_43 : vector<16xf32> to vector<16xf32>
    %swap3A_45 = vector.shape_cast %broadcast_in_dim3A_41 : vector<16xf32> to vector<16xf32>
    tpu.vector_store %arg10[%swap3A_42], %swap3A_45 {strides = array<i32>} : memref<128xf32, #tpu.memory_space<vmem>>, vector<16xf32>,
    %broadcast_in_dim3A_46 = arith.constant 1.000000e+00 : f32
    %broadcast_in_dim3A_47 = vector.broadcast %broadcast_in_dim3A_46 : f32 to vector<16xf32>
    %swap3A_48 = arith.constant 96 : index
    %swap3A_49 = tpu.vector_load %arg10[%swap3A_48] {strides = array<i32>} : memref<128xf32, #tpu.memory_space<vmem>>, vector<16xf32>,
    %swap3A_50 = vector.shape_cast %swap3A_49 : vector<16xf32> to vector<16xf32>
    %swap3A_51 = vector.shape_cast %broadcast_in_dim3A_47 : vector<16xf32> to vector<16xf32>
    tpu.vector_store %arg10[%swap3A_48], %swap3A_51 {strides = array<i32>} : memref<128xf32, #tpu.memory_space<vmem>>, vector<16xf32>,
    %broadcast_in_dim3A_52 = arith.constant 1.000000e+00 : f32
    %broadcast_in_dim3A_53 = vector.broadcast %broadcast_in_dim3A_52 : f32 to vector<16xf32>
    %swap3A_54 = arith.constant 112 : index
    %swap3A_55 = tpu.vector_load %arg10[%swap3A_54] {strides = array<i32>} : memref<128xf32, #tpu.memory_space<vmem>>, vector<16xf32>,
    %swap3A_56 = vector.shape_cast %swap3A_55 : vector<16xf32> to vector<16xf32>
    %swap3A_57 = vector.shape_cast %broadcast_in_dim3A_53 : vector<16xf32> to vector<16xf32>
    tpu.vector_store %arg10[%swap3A_54], %swap3A_57 {strides = array<i32>} : memref<128xf32, #tpu.memory_space<vmem>>, vector<16xf32>,
    %add3A = arith.constant 0 : i32
    %add3A_58 = arith.addi %mul3A_0, %add3A : i32
    "tpu.region"() ({
      %run_scoped3A = tpu.sem_alloc : memref<!tpu.dma_semaphore, #tpu.memory_space<semaphore_mem>>
      %dma_start3A = arith.constant 0 : i32
      %dma_start3A_78 = tpu.memref_slice %arg11[%add3A_58, %dma_start3A] : memref<10240x128xf32, #tpu.memory_space<vmem_shared>> -> memref<128x128xf32, #tpu.memory_space<vmem_shared>>
      %dma_start3A_79 = arith.constant 0 : i32
      %dma_start3A_80 = tpu.memref_slice %arg11[%add3A_58, %dma_start3A_79] : memref<10240x128xf32, #tpu.memory_space<vmem_shared>> -> memref<128x128xf32, #tpu.memory_space<vmem_shared>>
      tpu.enqueue_dma source(%arg8 : memref<128x128xf32, #tpu.memory_space<vmem>>) target(%dma_start3A_80 : memref<128x128xf32, #tpu.memory_space<vmem_shared>>) target_semaphore(%run_scoped3A : memref<!tpu.dma_semaphore, #tpu.memory_space<semaphore_mem>>)
      %dma_wait3A = arith.constant 0 : i32
      %dma_wait3A_81 = tpu.memref_slice %arg11[%add3A_58, %dma_wait3A] : memref<10240x128xf32, #tpu.memory_space<vmem_shared>> -> memref<128x128xf32, #tpu.memory_space<vmem_shared>>
      %dma_wait3A_82 = arith.constant 0 : i32
      %dma_wait3A_83 = tpu.memref_slice %arg11[%add3A_58, %dma_wait3A_82] : memref<10240x128xf32, #tpu.memory_space<vmem_shared>> -> memref<128x128xf32, #tpu.memory_space<vmem_shared>>
      tpu.wait_dma2 semaphore(%run_scoped3A : memref<!tpu.dma_semaphore, #tpu.memory_space<semaphore_mem>>) src(%arg8 : memref<128x128xf32, #tpu.memory_space<vmem>>) dst(%dma_wait3A_83 : memref<128x128xf32, #tpu.memory_space<vmem_shared>>)
      tpu.yield
    }) : () -> ()
    %add3A_59 = arith.constant 128 : i32
    %add3A_60 = arith.addi %mul3A_0, %add3A_59 : i32
    "tpu.region"() ({
      %run_scoped3A = tpu.sem_alloc : memref<!tpu.dma_semaphore, #tpu.memory_space<semaphore_mem>>
      %dma_start3A = arith.constant 0 : i32
      %dma_start3A_78 = tpu.memref_slice %arg11[%add3A_60, %dma_start3A] : memref<10240x128xf32, #tpu.memory_space<vmem_shared>> -> memref<128x128xf32, #tpu.memory_space<vmem_shared>>
      %dma_start3A_79 = arith.constant 0 : i32
      %dma_start3A_80 = tpu.memref_slice %arg11[%add3A_60, %dma_start3A_79] : memref<10240x128xf32, #tpu.memory_space<vmem_shared>> -> memref<128x128xf32, #tpu.memory_space<vmem_shared>>
      tpu.enqueue_dma source(%arg8 : memref<128x128xf32, #tpu.memory_space<vmem>>) target(%dma_start3A_80 : memref<128x128xf32, #tpu.memory_space<vmem_shared>>) target_semaphore(%run_scoped3A : memref<!tpu.dma_semaphore, #tpu.memory_space<semaphore_mem>>)
      %dma_wait3A = arith.constant 0 : i32
      %dma_wait3A_81 = tpu.memref_slice %arg11[%add3A_60, %dma_wait3A] : memref<10240x128xf32, #tpu.memory_space<vmem_shared>> -> memref<128x128xf32, #tpu.memory_space<vmem_shared>>
      %dma_wait3A_82 = arith.constant 0 : i32
      %dma_wait3A_83 = tpu.memref_slice %arg11[%add3A_60, %dma_wait3A_82] : memref<10240x128xf32, #tpu.memory_space<vmem_shared>> -> memref<128x128xf32, #tpu.memory_space<vmem_shared>>
      tpu.wait_dma2 semaphore(%run_scoped3A : memref<!tpu.dma_semaphore, #tpu.memory_space<semaphore_mem>>) src(%arg8 : memref<128x128xf32, #tpu.memory_space<vmem>>) dst(%dma_wait3A_83 : memref<128x128xf32, #tpu.memory_space<vmem_shared>>)
      tpu.yield
    }) : () -> ()
    %add3A_61 = arith.constant 256 : i32
    %add3A_62 = arith.addi %mul3A_0, %add3A_61 : i32
    "tpu.region"() ({
      %run_scoped3A = tpu.sem_alloc : memref<!tpu.dma_semaphore, #tpu.memory_space<semaphore_mem>>
      %dma_start3A = arith.constant 0 : i32
      %dma_start3A_78 = tpu.memref_slice %arg11[%add3A_62, %dma_start3A] : memref<10240x128xf32, #tpu.memory_space<vmem_shared>> -> memref<128x128xf32, #tpu.memory_space<vmem_shared>>
      %dma_start3A_79 = arith.constant 0 : i32
      %dma_start3A_80 = tpu.memref_slice %arg11[%add3A_62, %dma_start3A_79] : memref<10240x128xf32, #tpu.memory_space<vmem_shared>> -> memref<128x128xf32, #tpu.memory_space<vmem_shared>>
      tpu.enqueue_dma source(%arg8 : memref<128x128xf32, #tpu.memory_space<vmem>>) target(%dma_start3A_80 : memref<128x128xf32, #tpu.memory_space<vmem_shared>>) target_semaphore(%run_scoped3A : memref<!tpu.dma_semaphore, #tpu.memory_space<semaphore_mem>>)
      %dma_wait3A = arith.constant 0 : i32
      %dma_wait3A_81 = tpu.memref_slice %arg11[%add3A_62, %dma_wait3A] : memref<10240x128xf32, #tpu.memory_space<vmem_shared>> -> memref<128x128xf32, #tpu.memory_space<vmem_shared>>
      %dma_wait3A_82 = arith.constant 0 : i32
      %dma_wait3A_83 = tpu.memref_slice %arg11[%add3A_62, %dma_wait3A_82] : memref<10240x128xf32, #tpu.memory_space<vmem_shared>> -> memref<128x128xf32, #tpu.memory_space<vmem_shared>>
      tpu.wait_dma2 semaphore(%run_scoped3A : memref<!tpu.dma_semaphore, #tpu.memory_space<semaphore_mem>>) src(%arg8 : memref<128x128xf32, #tpu.memory_space<vmem>>) dst(%dma_wait3A_83 : memref<128x128xf32, #tpu.memory_space<vmem_shared>>)
      tpu.yield
    }) : () -> ()
    %add3A_63 = arith.constant 384 : i32
    %add3A_64 = arith.addi %mul3A_0, %add3A_63 : i32
    "tpu.region"() ({
      %run_scoped3A = tpu.sem_alloc : memref<!tpu.dma_semaphore, #tpu.memory_space<semaphore_mem>>
      %dma_start3A = arith.constant 0 : i32
      %dma_start3A_78 = tpu.memref_slice %arg11[%add3A_64, %dma_start3A] : memref<10240x128xf32, #tpu.memory_space<vmem_shared>> -> memref<128x128xf32, #tpu.memory_space<vmem_shared>>
      %dma_start3A_79 = arith.constant 0 : i32
      %dma_start3A_80 = tpu.memref_slice %arg11[%add3A_64, %dma_start3A_79] : memref<10240x128xf32, #tpu.memory_space<vmem_shared>> -> memref<128x128xf32, #tpu.memory_space<vmem_shared>>
      tpu.enqueue_dma source(%arg8 : memref<128x128xf32, #tpu.memory_space<vmem>>) target(%dma_start3A_80 : memref<128x128xf32, #tpu.memory_space<vmem_shared>>) target_semaphore(%run_scoped3A : memref<!tpu.dma_semaphore, #tpu.memory_space<semaphore_mem>>)
      %dma_wait3A = arith.constant 0 : i32
      %dma_wait3A_81 = tpu.memref_slice %arg11[%add3A_64, %dma_wait3A] : memref<10240x128xf32, #tpu.memory_space<vmem_shared>> -> memref<128x128xf32, #tpu.memory_space<vmem_shared>>
      %dma_wait3A_82 = arith.constant 0 : i32
      %dma_wait3A_83 = tpu.memref_slice %arg11[%add3A_64, %dma_wait3A_82] : memref<10240x128xf32, #tpu.memory_space<vmem_shared>> -> memref<128x128xf32, #tpu.memory_space<vmem_shared>>
      tpu.wait_dma2 semaphore(%run_scoped3A : memref<!tpu.dma_semaphore, #tpu.memory_space<semaphore_mem>>) src(%arg8 : memref<128x128xf32, #tpu.memory_space<vmem>>) dst(%dma_wait3A_83 : memref<128x128xf32, #tpu.memory_space<vmem_shared>>)
      tpu.yield
    }) : () -> ()
    %add3A_65 = arith.constant 512 : i32
    %add3A_66 = arith.addi %mul3A_0, %add3A_65 : i32
    "tpu.region"() ({
      %run_scoped3A = tpu.sem_alloc : memref<!tpu.dma_semaphore, #tpu.memory_space<semaphore_mem>>
      %dma_start3A = arith.constant 0 : i32
      %dma_start3A_78 = tpu.memref_slice %arg11[%add3A_66, %dma_start3A] : memref<10240x128xf32, #tpu.memory_space<vmem_shared>> -> memref<128x128xf32, #tpu.memory_space<vmem_shared>>
      %dma_start3A_79 = arith.constant 0 : i32
      %dma_start3A_80 = tpu.memref_slice %arg11[%add3A_66, %dma_start3A_79] : memref<10240x128xf32, #tpu.memory_space<vmem_shared>> -> memref<128x128xf32, #tpu.memory_space<vmem_shared>>
      tpu.enqueue_dma source(%arg8 : memref<128x128xf32, #tpu.memory_space<vmem>>) target(%dma_start3A_80 : memref<128x128xf32, #tpu.memory_space<vmem_shared>>) target_semaphore(%run_scoped3A : memref<!tpu.dma_semaphore, #tpu.memory_space<semaphore_mem>>)
      %dma_wait3A = arith.constant 0 : i32
      %dma_wait3A_81 = tpu.memref_slice %arg11[%add3A_66, %dma_wait3A] : memref<10240x128xf32, #tpu.memory_space<vmem_shared>> -> memref<128x128xf32, #tpu.memory_space<vmem_shared>>
      %dma_wait3A_82 = arith.constant 0 : i32
      %dma_wait3A_83 = tpu.memref_slice %arg11[%add3A_66, %dma_wait3A_82] : memref<10240x128xf32, #tpu.memory_space<vmem_shared>> -> memref<128x128xf32, #tpu.memory_space<vmem_shared>>
      tpu.wait_dma2 semaphore(%run_scoped3A : memref<!tpu.dma_semaphore, #tpu.memory_space<semaphore_mem>>) src(%arg8 : memref<128x128xf32, #tpu.memory_space<vmem>>) dst(%dma_wait3A_83 : memref<128x128xf32, #tpu.memory_space<vmem_shared>>)
      tpu.yield
    }) : () -> ()
    "tpu.region"() ({
      %run_scoped3A = tpu.sem_alloc : memref<!tpu.dma_semaphore, #tpu.memory_space<semaphore_mem>>
      %dma_start3A = tpu.memref_slice %arg12[%mul3A_0] : memref<10240xf32, #tpu.memory_space<vmem_shared>> -> memref<640xf32, #tpu.memory_space<vmem_shared>>
      %dma_start3A_78 = tpu.memref_slice %arg12[%mul3A_0] : memref<10240xf32, #tpu.memory_space<vmem_shared>> -> memref<640xf32, #tpu.memory_space<vmem_shared>>
      tpu.enqueue_dma source(%arg9 : memref<640xf32, #tpu.memory_space<vmem>>) target(%dma_start3A_78 : memref<640xf32, #tpu.memory_space<vmem_shared>>) target_semaphore(%run_scoped3A : memref<!tpu.dma_semaphore, #tpu.memory_space<semaphore_mem>>)
      %dma_wait3A = tpu.memref_slice %arg12[%mul3A_0] : memref<10240xf32, #tpu.memory_space<vmem_shared>> -> memref<640xf32, #tpu.memory_space<vmem_shared>>
      %dma_wait3A_79 = tpu.memref_slice %arg12[%mul3A_0] : memref<10240xf32, #tpu.memory_space<vmem_shared>> -> memref<640xf32, #tpu.memory_space<vmem_shared>>
      tpu.wait_dma2 semaphore(%run_scoped3A : memref<!tpu.dma_semaphore, #tpu.memory_space<semaphore_mem>>) src(%arg9 : memref<640xf32, #tpu.memory_space<vmem>>) dst(%dma_wait3A_79 : memref<640xf32, #tpu.memory_space<vmem_shared>>)
      tpu.yield
    }) : () -> ()
    %barrier3A = arith.constant 0 : index
    tpu.barrier barrier_id(%barrier3A)
    %mul3A_67 = arith.constant 80 : i32
    %mul3A_68 = arith.muli %arg1, %mul3A_67 : i32
    "tpu.region"() ({
      %run_scoped3A = tpu.sem_alloc : memref<!tpu.dma_semaphore, #tpu.memory_space<semaphore_mem>>
      %dma_start3A = arith.constant 0 : i32
      %dma_start3A_78 = tpu.memref_slice %arg3[%arg0, %mul3A_68, %dma_start3A] : memref<2x1280x128xi32, #tpu.memory_space<hbm>> -> memref<1x80x128xi32, #tpu.memory_space<hbm>>
      %dma_start3A_79 = tpu.memref_squeeze %dma_start3A_78 : memref<1x80x128xi32, #tpu.memory_space<hbm>> -> memref<80x128xi32, #tpu.memory_space<hbm>>
      %dma_start3A_80 = arith.constant 0 : i32
      %dma_start3A_81 = tpu.memref_slice %arg3[%arg0, %mul3A_68, %dma_start3A_80] : memref<2x1280x128xi32, #tpu.memory_space<hbm>> -> memref<1x80x128xi32, #tpu.memory_space<hbm>>
      %dma_start3A_82 = tpu.memref_squeeze %dma_start3A_81 : memref<1x80x128xi32, #tpu.memory_space<hbm>> -> memref<80x128xi32, #tpu.memory_space<hbm>>
      tpu.enqueue_dma source(%dma_start3A_82 : memref<80x128xi32, #tpu.memory_space<hbm>>) target(%arg6 : memref<80x128xi32, #tpu.memory_space<vmem>>) target_semaphore(%run_scoped3A : memref<!tpu.dma_semaphore, #tpu.memory_space<semaphore_mem>>)
      %dma_wait3A = arith.constant 0 : i32
      %dma_wait3A_83 = tpu.memref_slice %arg3[%arg0, %mul3A_68, %dma_wait3A] : memref<2x1280x128xi32, #tpu.memory_space<hbm>> -> memref<1x80x128xi32, #tpu.memory_space<hbm>>
      %dma_wait3A_84 = tpu.memref_squeeze %dma_wait3A_83 : memref<1x80x128xi32, #tpu.memory_space<hbm>> -> memref<80x128xi32, #tpu.memory_space<hbm>>
      %dma_wait3A_85 = arith.constant 0 : i32
      %dma_wait3A_86 = tpu.memref_slice %arg3[%arg0, %mul3A_68, %dma_wait3A_85] : memref<2x1280x128xi32, #tpu.memory_space<hbm>> -> memref<1x80x128xi32, #tpu.memory_space<hbm>>
      %dma_wait3A_87 = tpu.memref_squeeze %dma_wait3A_86 : memref<1x80x128xi32, #tpu.memory_space<hbm>> -> memref<80x128xi32, #tpu.memory_space<hbm>>
      tpu.wait_dma2 semaphore(%run_scoped3A : memref<!tpu.dma_semaphore, #tpu.memory_space<semaphore_mem>>) src(%dma_wait3A_87 : memref<80x128xi32, #tpu.memory_space<hbm>>) dst(%arg6 : memref<80x128xi32, #tpu.memory_space<vmem>>)
      tpu.yield
    }) : () -> ()
    %mul3A_69 = arith.constant 80 : i32
    %mul3A_70 = arith.muli %arg1, %mul3A_69 : i32
    "tpu.region"() ({
      %run_scoped3A = tpu.sem_alloc : memref<!tpu.dma_semaphore, #tpu.memory_space<semaphore_mem>>
      %dma_start3A = arith.constant 0 : i32
      %dma_start3A_78 = tpu.memref_slice %arg4[%mul3A_70, %dma_start3A] : memref<1280x128xi32, #tpu.memory_space<hbm>> -> memref<80x128xi32, #tpu.memory_space<hbm>>
      %dma_start3A_79 = arith.constant 0 : i32
      %dma_start3A_80 = tpu.memref_slice %arg4[%mul3A_70, %dma_start3A_79] : memref<1280x128xi32, #tpu.memory_space<hbm>> -> memref<80x128xi32, #tpu.memory_space<hbm>>
      tpu.enqueue_dma source(%dma_start3A_80 : memref<80x128xi32, #tpu.memory_space<hbm>>) target(%arg7 : memref<80x128xi32, #tpu.memory_space<vmem>>) target_semaphore(%run_scoped3A : memref<!tpu.dma_semaphore, #tpu.memory_space<semaphore_mem>>)
      %dma_wait3A = arith.constant 0 : i32
      %dma_wait3A_81 = tpu.memref_slice %arg4[%mul3A_70, %dma_wait3A] : memref<1280x128xi32, #tpu.memory_space<hbm>> -> memref<80x128xi32, #tpu.memory_space<hbm>>
      %dma_wait3A_82 = arith.constant 0 : i32
      %dma_wait3A_83 = tpu.memref_slice %arg4[%mul3A_70, %dma_wait3A_82] : memref<1280x128xi32, #tpu.memory_space<hbm>> -> memref<80x128xi32, #tpu.memory_space<hbm>>
      tpu.wait_dma2 semaphore(%run_scoped3A : memref<!tpu.dma_semaphore, #tpu.memory_space<semaphore_mem>>) src(%dma_wait3A_83 : memref<80x128xi32, #tpu.memory_space<hbm>>) dst(%arg7 : memref<80x128xi32, #tpu.memory_space<vmem>>)
      tpu.yield
    }) : () -> ()
    %scan3A_71 = arith.constant 0 : i32
    %scan3A_72 = arith.constant 0 : i32
    %scan3A_73 = arith.constant 80 : i32
    %scan3A_74 = arith.addi %scan3A_72, %scan3A_73 : i32
    %scan3A_75 = arith.constant 1 : i32
    scf.for %scan3A_78 = %scan3A_72 to %scan3A_74 step %scan3A_75  : i32 {
      %dma_start3A = arith.constant 0 : i32
      %dma_start3A_79 = tpu.memref_slice %arg6[%scan3A_78, %dma_start3A] : memref<80x128xi32, #tpu.memory_space<vmem>> -> memref<1x128xi32, #tpu.memory_space<vmem>>
      %dma_start3A_80 = tpu.memref_squeeze %dma_start3A_79 : memref<1x128xi32, #tpu.memory_space<vmem>> -> memref<128xi32, #tpu.memory_space<vmem>>
      %dma_start3A_81 = arith.constant 0 : i32
      %dma_start3A_82 = arith.constant 0 : i32
      %dma_start3A_83 = tpu.memref_slice %arg2[%dma_start3A_81, %dma_start3A_82] : memref<20480x128xf32, #tpu.memory_space<hbm>> -> memref<20480x128xf32, #tpu.memory_space<hbm>>
      tpu.enqueue_indirect_dma source(%dma_start3A_83 : memref<20480x128xf32, #tpu.memory_space<hbm>>) target(%arg8 : memref<128x128xf32, #tpu.memory_space<vmem>>) offsets(%dma_start3A_80 : memref<128xi32, #tpu.memory_space<vmem>>) semaphore(%arg13 : memref<!tpu.dma_semaphore, #tpu.memory_space<semaphore_mem>>)
      %dma_wait3A = arith.constant 0 : i32
      %dma_wait3A_84 = tpu.memref_slice %arg6[%scan3A_78, %dma_wait3A] : memref<80x128xi32, #tpu.memory_space<vmem>> -> memref<1x128xi32, #tpu.memory_space<vmem>>
      %dma_wait3A_85 = tpu.memref_squeeze %dma_wait3A_84 : memref<1x128xi32, #tpu.memory_space<vmem>> -> memref<128xi32, #tpu.memory_space<vmem>>
      %dma_wait3A_86 = arith.constant 0 : i32
      %dma_wait3A_87 = arith.constant 0 : i32
      %dma_wait3A_88 = tpu.memref_slice %arg2[%dma_wait3A_86, %dma_wait3A_87] : memref<20480x128xf32, #tpu.memory_space<hbm>> -> memref<20480x128xf32, #tpu.memory_space<hbm>>
      tpu.wait_indirect_dma semaphore(%arg13 : memref<!tpu.dma_semaphore, #tpu.memory_space<semaphore_mem>>) src(%dma_wait3A_88 : memref<20480x128xf32, #tpu.memory_space<hbm>>) dst(%arg8 : memref<128x128xf32, #tpu.memory_space<vmem>>)
      "tpu.region"() ({
        %run_scoped3A = tpu.sem_alloc : memref<!tpu.dma_semaphore, #tpu.memory_space<semaphore_mem>>
        %dma_start3A_89 = arith.constant 0 : i32
        %dma_start3A_90 = tpu.memref_slice %arg7[%scan3A_78, %dma_start3A_89] : memref<80x128xi32, #tpu.memory_space<vmem>> -> memref<1x128xi32, #tpu.memory_space<vmem>>
        %dma_start3A_91 = tpu.memref_squeeze %dma_start3A_90 : memref<1x128xi32, #tpu.memory_space<vmem>> -> memref<128xi32, #tpu.memory_space<vmem>>
        %dma_start3A_92 = arith.constant 0 : i32
        %dma_start3A_93 = arith.constant 0 : i32
        %dma_start3A_94 = tpu.memref_slice %arg11[%dma_start3A_92, %dma_start3A_93] : memref<10240x128xf32, #tpu.memory_space<vmem_shared>> -> memref<10240x128xf32, #tpu.memory_space<vmem_shared>>
        tpu.enqueue_indirect_dma source(%arg8 : memref<128x128xf32, #tpu.memory_space<vmem>>) target(%dma_start3A_94 : memref<10240x128xf32, #tpu.memory_space<vmem_shared>>) offsets(%dma_start3A_91 : memref<128xi32, #tpu.memory_space<vmem>>) semaphore(%run_scoped3A : memref<!tpu.dma_semaphore, #tpu.memory_space<semaphore_mem>>) {add = true}
        %dma_wait3A_95 = arith.constant 0 : i32
        %dma_wait3A_96 = tpu.memref_slice %arg7[%scan3A_78, %dma_wait3A_95] : memref<80x128xi32, #tpu.memory_space<vmem>> -> memref<1x128xi32, #tpu.memory_space<vmem>>
        %dma_wait3A_97 = tpu.memref_squeeze %dma_wait3A_96 : memref<1x128xi32, #tpu.memory_space<vmem>> -> memref<128xi32, #tpu.memory_space<vmem>>
        %dma_wait3A_98 = arith.constant 0 : i32
        %dma_wait3A_99 = arith.constant 0 : i32
        %dma_wait3A_100 = tpu.memref_slice %arg11[%dma_wait3A_98, %dma_wait3A_99] : memref<10240x128xf32, #tpu.memory_space<vmem_shared>> -> memref<10240x128xf32, #tpu.memory_space<vmem_shared>>
        tpu.wait_indirect_dma semaphore(%run_scoped3A : memref<!tpu.dma_semaphore, #tpu.memory_space<semaphore_mem>>) src(%arg8 : memref<128x128xf32, #tpu.memory_space<vmem>>) dst(%dma_wait3A_100 : memref<10240x128xf32, #tpu.memory_space<vmem_shared>>)
        tpu.yield
      }) : () -> ()
    }
    %scan3A_76 = arith.constant 80 : i32
    %barrier3A_77 = arith.constant 0 : index
    tpu.barrier barrier_id(%barrier3A_77)
    "tpu.region"() ({
      %run_scoped3A = tpu.sem_alloc : memref<!tpu.dma_semaphore, #tpu.memory_space<semaphore_mem>>
      %dma_start3A = arith.constant 0 : i32
      %dma_start3A_78 = tpu.memref_slice %arg5[%arg0, %mul3A_0, %dma_start3A] : memref<2x10240x128xf32, #tpu.memory_space<hbm>> -> memref<1x640x128xf32, #tpu.memory_space<hbm>>
      %dma_start3A_79 = tpu.memref_squeeze %dma_start3A_78 : memref<1x640x128xf32, #tpu.memory_space<hbm>> -> memref<640x128xf32, #tpu.memory_space<hbm>>
      %dma_start3A_80 = arith.constant 0 : i32
      %dma_start3A_81 = tpu.memref_slice %arg11[%mul3A_0, %dma_start3A_80] : memref<10240x128xf32, #tpu.memory_space<vmem_shared>> -> memref<640x128xf32, #tpu.memory_space<vmem_shared>>
      tpu.enqueue_dma source(%dma_start3A_81 : memref<640x128xf32, #tpu.memory_space<vmem_shared>>) target(%dma_start3A_79 : memref<640x128xf32, #tpu.memory_space<hbm>>) target_semaphore(%run_scoped3A : memref<!tpu.dma_semaphore, #tpu.memory_space<semaphore_mem>>)
      %dma_wait3A = arith.constant 0 : i32
      %dma_wait3A_82 = tpu.memref_slice %arg5[%arg0, %mul3A_0, %dma_wait3A] : memref<2x10240x128xf32, #tpu.memory_space<hbm>> -> memref<1x640x128xf32, #tpu.memory_space<hbm>>
      %dma_wait3A_83 = tpu.memref_squeeze %dma_wait3A_82 : memref<1x640x128xf32, #tpu.memory_space<hbm>> -> memref<640x128xf32, #tpu.memory_space<hbm>>
      %dma_wait3A_84 = arith.constant 0 : i32
      %dma_wait3A_85 = tpu.memref_slice %arg11[%mul3A_0, %dma_wait3A_84] : memref<10240x128xf32, #tpu.memory_space<vmem_shared>> -> memref<640x128xf32, #tpu.memory_space<vmem_shared>>
      tpu.wait_dma2 semaphore(%run_scoped3A : memref<!tpu.dma_semaphore, #tpu.memory_space<semaphore_mem>>) src(%dma_wait3A_85 : memref<640x128xf32, #tpu.memory_space<vmem_shared>>) dst(%dma_wait3A_83 : memref<640x128xf32, #tpu.memory_space<hbm>>)
      tpu.yield
    }) : () -> ()
    return
  }
}

#map = affine_map<(d0, d1) -> (0, 0)>
#map1 = affine_map<(d0, d1) -> (0, 0, 0)>
#map2 = affine_map<(d0, d1) -> (0)>
module attributes {stable_mosaic.version = 14 : i64} {
  func.func @agg(%arg0: i32, %arg1: i32, %arg2: memref<20480x128xf32, #tpu.memory_space<hbm>>, %arg3: memref<2x1280x128xi32, #tpu.memory_space<hbm>>, %arg4: memref<1280x128xi32, #tpu.memory_space<hbm>>, %arg5: memref<2x10240x128xf32, #tpu.memory_space<hbm>>, %arg6: memref<10240xf32, #tpu.memory_space<hbm>>, %arg7: memref<80x128xi32, #tpu.memory_space<vmem>>, %arg8: memref<80x128xi32, #tpu.memory_space<vmem>>, %arg9: memref<128x128xf32, #tpu.memory_space<vmem>>, %arg10: memref<640xf32, #tpu.memory_space<vmem>>, %arg11: memref<128xf32, #tpu.memory_space<vmem>>, %arg12: memref<10240x128xf32, #tpu.memory_space<vmem_shared>>, %arg13: memref<10240xf32, #tpu.memory_space<vmem_shared>>, %arg14: memref<!tpu.dma_semaphore, #tpu.memory_space<semaphore_mem>>) attributes {dimension_semantics = [#tpu.dimension_semantics<core_parallel>, #tpu.dimension_semantics<subcore_parallel>], iteration_bounds = array<i64: 2, 16>, scalar_prefetch = 0 : i64, scratch_operands = 8 : i64, tpu.core_type = #tpu.core_type<sc_vector_subcore>, window_params = [{transform_indices = #map}, {transform_indices = #map1}, {transform_indices = #map}, {transform_indices = #map1}, {transform_indices = #map2}]} {
    %mul3A = arith.constant 640 : i32
    %mul3A_0 = arith.muli %arg1, %mul3A : i32
    %scan3A = arith.constant 0 : i32
    %scan3A_1 = arith.constant 0 : i32
    %scan3A_2 = arith.constant 128 : i32
    %scan3A_3 = arith.addi %scan3A_1, %scan3A_2 : i32
    %scan3A_4 = arith.constant 1 : i32
    scf.for %scan3A_80 = %scan3A_1 to %scan3A_3 step %scan3A_4  : i32 {
      %broadcast_in_dim3A_81 = arith.constant 0.000000e+00 : f32
      %broadcast_in_dim3A_82 = vector.broadcast %broadcast_in_dim3A_81 : f32 to vector<16xf32>
      %swap3A_83 = arith.index_cast %scan3A_80 : i32 to index
      %swap3A_84 = arith.constant 0 : index
      %swap3A_85 = tpu.vector_load %arg9[%swap3A_83, %swap3A_84] {strides = array<i32>} : memref<128x128xf32, #tpu.memory_space<vmem>>, vector<1x16xf32>,
      %swap3A_86 = vector.shape_cast %swap3A_85 : vector<1x16xf32> to vector<16xf32>
      %swap3A_87 = vector.shape_cast %broadcast_in_dim3A_82 : vector<16xf32> to vector<1x16xf32>
      tpu.vector_store %arg9[%swap3A_83, %swap3A_84], %swap3A_87 {strides = array<i32>} : memref<128x128xf32, #tpu.memory_space<vmem>>, vector<1x16xf32>,
      %broadcast_in_dim3A_88 = arith.constant 0.000000e+00 : f32
      %broadcast_in_dim3A_89 = vector.broadcast %broadcast_in_dim3A_88 : f32 to vector<16xf32>
      %swap3A_90 = arith.index_cast %scan3A_80 : i32 to index
      %swap3A_91 = arith.constant 16 : index
      %swap3A_92 = tpu.vector_load %arg9[%swap3A_90, %swap3A_91] {strides = array<i32>} : memref<128x128xf32, #tpu.memory_space<vmem>>, vector<1x16xf32>,
      %swap3A_93 = vector.shape_cast %swap3A_92 : vector<1x16xf32> to vector<16xf32>
      %swap3A_94 = vector.shape_cast %broadcast_in_dim3A_89 : vector<16xf32> to vector<1x16xf32>
      tpu.vector_store %arg9[%swap3A_90, %swap3A_91], %swap3A_94 {strides = array<i32>} : memref<128x128xf32, #tpu.memory_space<vmem>>, vector<1x16xf32>,
      %broadcast_in_dim3A_95 = arith.constant 0.000000e+00 : f32
      %broadcast_in_dim3A_96 = vector.broadcast %broadcast_in_dim3A_95 : f32 to vector<16xf32>
      %swap3A_97 = arith.index_cast %scan3A_80 : i32 to index
      %swap3A_98 = arith.constant 32 : index
      %swap3A_99 = tpu.vector_load %arg9[%swap3A_97, %swap3A_98] {strides = array<i32>} : memref<128x128xf32, #tpu.memory_space<vmem>>, vector<1x16xf32>,
      %swap3A_100 = vector.shape_cast %swap3A_99 : vector<1x16xf32> to vector<16xf32>
      %swap3A_101 = vector.shape_cast %broadcast_in_dim3A_96 : vector<16xf32> to vector<1x16xf32>
      tpu.vector_store %arg9[%swap3A_97, %swap3A_98], %swap3A_101 {strides = array<i32>} : memref<128x128xf32, #tpu.memory_space<vmem>>, vector<1x16xf32>,
      %broadcast_in_dim3A_102 = arith.constant 0.000000e+00 : f32
      %broadcast_in_dim3A_103 = vector.broadcast %broadcast_in_dim3A_102 : f32 to vector<16xf32>
      %swap3A_104 = arith.index_cast %scan3A_80 : i32 to index
      %swap3A_105 = arith.constant 48 : index
      %swap3A_106 = tpu.vector_load %arg9[%swap3A_104, %swap3A_105] {strides = array<i32>} : memref<128x128xf32, #tpu.memory_space<vmem>>, vector<1x16xf32>,
      %swap3A_107 = vector.shape_cast %swap3A_106 : vector<1x16xf32> to vector<16xf32>
      %swap3A_108 = vector.shape_cast %broadcast_in_dim3A_103 : vector<16xf32> to vector<1x16xf32>
      tpu.vector_store %arg9[%swap3A_104, %swap3A_105], %swap3A_108 {strides = array<i32>} : memref<128x128xf32, #tpu.memory_space<vmem>>, vector<1x16xf32>,
      %broadcast_in_dim3A_109 = arith.constant 0.000000e+00 : f32
      %broadcast_in_dim3A_110 = vector.broadcast %broadcast_in_dim3A_109 : f32 to vector<16xf32>
      %swap3A_111 = arith.index_cast %scan3A_80 : i32 to index
      %swap3A_112 = arith.constant 64 : index
      %swap3A_113 = tpu.vector_load %arg9[%swap3A_111, %swap3A_112] {strides = array<i32>} : memref<128x128xf32, #tpu.memory_space<vmem>>, vector<1x16xf32>,
      %swap3A_114 = vector.shape_cast %swap3A_113 : vector<1x16xf32> to vector<16xf32>
      %swap3A_115 = vector.shape_cast %broadcast_in_dim3A_110 : vector<16xf32> to vector<1x16xf32>
      tpu.vector_store %arg9[%swap3A_111, %swap3A_112], %swap3A_115 {strides = array<i32>} : memref<128x128xf32, #tpu.memory_space<vmem>>, vector<1x16xf32>,
      %broadcast_in_dim3A_116 = arith.constant 0.000000e+00 : f32
      %broadcast_in_dim3A_117 = vector.broadcast %broadcast_in_dim3A_116 : f32 to vector<16xf32>
      %swap3A_118 = arith.index_cast %scan3A_80 : i32 to index
      %swap3A_119 = arith.constant 80 : index
      %swap3A_120 = tpu.vector_load %arg9[%swap3A_118, %swap3A_119] {strides = array<i32>} : memref<128x128xf32, #tpu.memory_space<vmem>>, vector<1x16xf32>,
      %swap3A_121 = vector.shape_cast %swap3A_120 : vector<1x16xf32> to vector<16xf32>
      %swap3A_122 = vector.shape_cast %broadcast_in_dim3A_117 : vector<16xf32> to vector<1x16xf32>
      tpu.vector_store %arg9[%swap3A_118, %swap3A_119], %swap3A_122 {strides = array<i32>} : memref<128x128xf32, #tpu.memory_space<vmem>>, vector<1x16xf32>,
      %broadcast_in_dim3A_123 = arith.constant 0.000000e+00 : f32
      %broadcast_in_dim3A_124 = vector.broadcast %broadcast_in_dim3A_123 : f32 to vector<16xf32>
      %swap3A_125 = arith.index_cast %scan3A_80 : i32 to index
      %swap3A_126 = arith.constant 96 : index
      %swap3A_127 = tpu.vector_load %arg9[%swap3A_125, %swap3A_126] {strides = array<i32>} : memref<128x128xf32, #tpu.memory_space<vmem>>, vector<1x16xf32>,
      %swap3A_128 = vector.shape_cast %swap3A_127 : vector<1x16xf32> to vector<16xf32>
      %swap3A_129 = vector.shape_cast %broadcast_in_dim3A_124 : vector<16xf32> to vector<1x16xf32>
      tpu.vector_store %arg9[%swap3A_125, %swap3A_126], %swap3A_129 {strides = array<i32>} : memref<128x128xf32, #tpu.memory_space<vmem>>, vector<1x16xf32>,
      %broadcast_in_dim3A_130 = arith.constant 0.000000e+00 : f32
      %broadcast_in_dim3A_131 = vector.broadcast %broadcast_in_dim3A_130 : f32 to vector<16xf32>
      %swap3A_132 = arith.index_cast %scan3A_80 : i32 to index
      %swap3A_133 = arith.constant 112 : index
      %swap3A_134 = tpu.vector_load %arg9[%swap3A_132, %swap3A_133] {strides = array<i32>} : memref<128x128xf32, #tpu.memory_space<vmem>>, vector<1x16xf32>,
      %swap3A_135 = vector.shape_cast %swap3A_134 : vector<1x16xf32> to vector<16xf32>
      %swap3A_136 = vector.shape_cast %broadcast_in_dim3A_131 : vector<16xf32> to vector<1x16xf32>
      tpu.vector_store %arg9[%swap3A_132, %swap3A_133], %swap3A_136 {strides = array<i32>} : memref<128x128xf32, #tpu.memory_space<vmem>>, vector<1x16xf32>,
    }
    %scan3A_5 = arith.constant 128 : i32
    %scan3A_6 = arith.constant 0 : i32
    %scan3A_7 = arith.constant 0 : i32
    %scan3A_8 = arith.constant 40 : i32
    %scan3A_9 = arith.addi %scan3A_7, %scan3A_8 : i32
    %scan3A_10 = arith.constant 1 : i32
    scf.for %scan3A_80 = %scan3A_7 to %scan3A_9 step %scan3A_10  : i32 {
      %broadcast_in_dim3A_81 = arith.constant 0.000000e+00 : f32
      %broadcast_in_dim3A_82 = vector.broadcast %broadcast_in_dim3A_81 : f32 to vector<16xf32>
      %mul3A_83 = arith.constant 16 : i32
      %mul3A_84 = arith.muli %scan3A_80, %mul3A_83 : i32
      %swap3A_85 = arith.index_cast %mul3A_84 : i32 to index
      %swap3A_86 = tpu.vector_load %arg10[%swap3A_85] {strides = array<i32>} : memref<640xf32, #tpu.memory_space<vmem>>, vector<16xf32>,
      %swap3A_87 = vector.shape_cast %swap3A_86 : vector<16xf32> to vector<16xf32>
      %swap3A_88 = vector.shape_cast %broadcast_in_dim3A_82 : vector<16xf32> to vector<16xf32>
      tpu.vector_store %arg10[%swap3A_85], %swap3A_88 {strides = array<i32>} : memref<640xf32, #tpu.memory_space<vmem>>, vector<16xf32>,
    }
    %scan3A_11 = arith.constant 40 : i32
    %broadcast_in_dim3A = arith.constant 1.000000e+00 : f32
    %broadcast_in_dim3A_12 = vector.broadcast %broadcast_in_dim3A : f32 to vector<16xf32>
    %swap3A = arith.constant 0 : index
    %swap3A_13 = tpu.vector_load %arg11[%swap3A] {strides = array<i32>} : memref<128xf32, #tpu.memory_space<vmem>>, vector<16xf32>,
    %swap3A_14 = vector.shape_cast %swap3A_13 : vector<16xf32> to vector<16xf32>
    %swap3A_15 = vector.shape_cast %broadcast_in_dim3A_12 : vector<16xf32> to vector<16xf32>
    tpu.vector_store %arg11[%swap3A], %swap3A_15 {strides = array<i32>} : memref<128xf32, #tpu.memory_space<vmem>>, vector<16xf32>,
    %broadcast_in_dim3A_16 = arith.constant 1.000000e+00 : f32
    %broadcast_in_dim3A_17 = vector.broadcast %broadcast_in_dim3A_16 : f32 to vector<16xf32>
    %swap3A_18 = arith.constant 16 : index
    %swap3A_19 = tpu.vector_load %arg11[%swap3A_18] {strides = array<i32>} : memref<128xf32, #tpu.memory_space<vmem>>, vector<16xf32>,
    %swap3A_20 = vector.shape_cast %swap3A_19 : vector<16xf32> to vector<16xf32>
    %swap3A_21 = vector.shape_cast %broadcast_in_dim3A_17 : vector<16xf32> to vector<16xf32>
    tpu.vector_store %arg11[%swap3A_18], %swap3A_21 {strides = array<i32>} : memref<128xf32, #tpu.memory_space<vmem>>, vector<16xf32>,
    %broadcast_in_dim3A_22 = arith.constant 1.000000e+00 : f32
    %broadcast_in_dim3A_23 = vector.broadcast %broadcast_in_dim3A_22 : f32 to vector<16xf32>
    %swap3A_24 = arith.constant 32 : index
    %swap3A_25 = tpu.vector_load %arg11[%swap3A_24] {strides = array<i32>} : memref<128xf32, #tpu.memory_space<vmem>>, vector<16xf32>,
    %swap3A_26 = vector.shape_cast %swap3A_25 : vector<16xf32> to vector<16xf32>
    %swap3A_27 = vector.shape_cast %broadcast_in_dim3A_23 : vector<16xf32> to vector<16xf32>
    tpu.vector_store %arg11[%swap3A_24], %swap3A_27 {strides = array<i32>} : memref<128xf32, #tpu.memory_space<vmem>>, vector<16xf32>,
    %broadcast_in_dim3A_28 = arith.constant 1.000000e+00 : f32
    %broadcast_in_dim3A_29 = vector.broadcast %broadcast_in_dim3A_28 : f32 to vector<16xf32>
    %swap3A_30 = arith.constant 48 : index
    %swap3A_31 = tpu.vector_load %arg11[%swap3A_30] {strides = array<i32>} : memref<128xf32, #tpu.memory_space<vmem>>, vector<16xf32>,
    %swap3A_32 = vector.shape_cast %swap3A_31 : vector<16xf32> to vector<16xf32>
    %swap3A_33 = vector.shape_cast %broadcast_in_dim3A_29 : vector<16xf32> to vector<16xf32>
    tpu.vector_store %arg11[%swap3A_30], %swap3A_33 {strides = array<i32>} : memref<128xf32, #tpu.memory_space<vmem>>, vector<16xf32>,
    %broadcast_in_dim3A_34 = arith.constant 1.000000e+00 : f32
    %broadcast_in_dim3A_35 = vector.broadcast %broadcast_in_dim3A_34 : f32 to vector<16xf32>
    %swap3A_36 = arith.constant 64 : index
    %swap3A_37 = tpu.vector_load %arg11[%swap3A_36] {strides = array<i32>} : memref<128xf32, #tpu.memory_space<vmem>>, vector<16xf32>,
    %swap3A_38 = vector.shape_cast %swap3A_37 : vector<16xf32> to vector<16xf32>
    %swap3A_39 = vector.shape_cast %broadcast_in_dim3A_35 : vector<16xf32> to vector<16xf32>
    tpu.vector_store %arg11[%swap3A_36], %swap3A_39 {strides = array<i32>} : memref<128xf32, #tpu.memory_space<vmem>>, vector<16xf32>,
    %broadcast_in_dim3A_40 = arith.constant 1.000000e+00 : f32
    %broadcast_in_dim3A_41 = vector.broadcast %broadcast_in_dim3A_40 : f32 to vector<16xf32>
    %swap3A_42 = arith.constant 80 : index
    %swap3A_43 = tpu.vector_load %arg11[%swap3A_42] {strides = array<i32>} : memref<128xf32, #tpu.memory_space<vmem>>, vector<16xf32>,
    %swap3A_44 = vector.shape_cast %swap3A_43 : vector<16xf32> to vector<16xf32>
    %swap3A_45 = vector.shape_cast %broadcast_in_dim3A_41 : vector<16xf32> to vector<16xf32>
    tpu.vector_store %arg11[%swap3A_42], %swap3A_45 {strides = array<i32>} : memref<128xf32, #tpu.memory_space<vmem>>, vector<16xf32>,
    %broadcast_in_dim3A_46 = arith.constant 1.000000e+00 : f32
    %broadcast_in_dim3A_47 = vector.broadcast %broadcast_in_dim3A_46 : f32 to vector<16xf32>
    %swap3A_48 = arith.constant 96 : index
    %swap3A_49 = tpu.vector_load %arg11[%swap3A_48] {strides = array<i32>} : memref<128xf32, #tpu.memory_space<vmem>>, vector<16xf32>,
    %swap3A_50 = vector.shape_cast %swap3A_49 : vector<16xf32> to vector<16xf32>
    %swap3A_51 = vector.shape_cast %broadcast_in_dim3A_47 : vector<16xf32> to vector<16xf32>
    tpu.vector_store %arg11[%swap3A_48], %swap3A_51 {strides = array<i32>} : memref<128xf32, #tpu.memory_space<vmem>>, vector<16xf32>,
    %broadcast_in_dim3A_52 = arith.constant 1.000000e+00 : f32
    %broadcast_in_dim3A_53 = vector.broadcast %broadcast_in_dim3A_52 : f32 to vector<16xf32>
    %swap3A_54 = arith.constant 112 : index
    %swap3A_55 = tpu.vector_load %arg11[%swap3A_54] {strides = array<i32>} : memref<128xf32, #tpu.memory_space<vmem>>, vector<16xf32>,
    %swap3A_56 = vector.shape_cast %swap3A_55 : vector<16xf32> to vector<16xf32>
    %swap3A_57 = vector.shape_cast %broadcast_in_dim3A_53 : vector<16xf32> to vector<16xf32>
    tpu.vector_store %arg11[%swap3A_54], %swap3A_57 {strides = array<i32>} : memref<128xf32, #tpu.memory_space<vmem>>, vector<16xf32>,
    %add3A = arith.constant 0 : i32
    %add3A_58 = arith.addi %mul3A_0, %add3A : i32
    "tpu.region"() ({
      %run_scoped3A = tpu.sem_alloc : memref<!tpu.dma_semaphore, #tpu.memory_space<semaphore_mem>>
      %dma_start3A = arith.constant 0 : i32
      %dma_start3A_80 = tpu.memref_slice %arg12[%add3A_58, %dma_start3A] : memref<10240x128xf32, #tpu.memory_space<vmem_shared>> -> memref<128x128xf32, #tpu.memory_space<vmem_shared>>
      %dma_start3A_81 = arith.constant 0 : i32
      %dma_start3A_82 = tpu.memref_slice %arg12[%add3A_58, %dma_start3A_81] : memref<10240x128xf32, #tpu.memory_space<vmem_shared>> -> memref<128x128xf32, #tpu.memory_space<vmem_shared>>
      tpu.enqueue_dma source(%arg9 : memref<128x128xf32, #tpu.memory_space<vmem>>) target(%dma_start3A_82 : memref<128x128xf32, #tpu.memory_space<vmem_shared>>) target_semaphore(%run_scoped3A : memref<!tpu.dma_semaphore, #tpu.memory_space<semaphore_mem>>)
      %dma_wait3A = arith.constant 0 : i32
      %dma_wait3A_83 = tpu.memref_slice %arg12[%add3A_58, %dma_wait3A] : memref<10240x128xf32, #tpu.memory_space<vmem_shared>> -> memref<128x128xf32, #tpu.memory_space<vmem_shared>>
      %dma_wait3A_84 = arith.constant 0 : i32
      %dma_wait3A_85 = tpu.memref_slice %arg12[%add3A_58, %dma_wait3A_84] : memref<10240x128xf32, #tpu.memory_space<vmem_shared>> -> memref<128x128xf32, #tpu.memory_space<vmem_shared>>
      tpu.wait_dma2 semaphore(%run_scoped3A : memref<!tpu.dma_semaphore, #tpu.memory_space<semaphore_mem>>) src(%arg9 : memref<128x128xf32, #tpu.memory_space<vmem>>) dst(%dma_wait3A_85 : memref<128x128xf32, #tpu.memory_space<vmem_shared>>)
      tpu.yield
    }) : () -> ()
    %add3A_59 = arith.constant 128 : i32
    %add3A_60 = arith.addi %mul3A_0, %add3A_59 : i32
    "tpu.region"() ({
      %run_scoped3A = tpu.sem_alloc : memref<!tpu.dma_semaphore, #tpu.memory_space<semaphore_mem>>
      %dma_start3A = arith.constant 0 : i32
      %dma_start3A_80 = tpu.memref_slice %arg12[%add3A_60, %dma_start3A] : memref<10240x128xf32, #tpu.memory_space<vmem_shared>> -> memref<128x128xf32, #tpu.memory_space<vmem_shared>>
      %dma_start3A_81 = arith.constant 0 : i32
      %dma_start3A_82 = tpu.memref_slice %arg12[%add3A_60, %dma_start3A_81] : memref<10240x128xf32, #tpu.memory_space<vmem_shared>> -> memref<128x128xf32, #tpu.memory_space<vmem_shared>>
      tpu.enqueue_dma source(%arg9 : memref<128x128xf32, #tpu.memory_space<vmem>>) target(%dma_start3A_82 : memref<128x128xf32, #tpu.memory_space<vmem_shared>>) target_semaphore(%run_scoped3A : memref<!tpu.dma_semaphore, #tpu.memory_space<semaphore_mem>>)
      %dma_wait3A = arith.constant 0 : i32
      %dma_wait3A_83 = tpu.memref_slice %arg12[%add3A_60, %dma_wait3A] : memref<10240x128xf32, #tpu.memory_space<vmem_shared>> -> memref<128x128xf32, #tpu.memory_space<vmem_shared>>
      %dma_wait3A_84 = arith.constant 0 : i32
      %dma_wait3A_85 = tpu.memref_slice %arg12[%add3A_60, %dma_wait3A_84] : memref<10240x128xf32, #tpu.memory_space<vmem_shared>> -> memref<128x128xf32, #tpu.memory_space<vmem_shared>>
      tpu.wait_dma2 semaphore(%run_scoped3A : memref<!tpu.dma_semaphore, #tpu.memory_space<semaphore_mem>>) src(%arg9 : memref<128x128xf32, #tpu.memory_space<vmem>>) dst(%dma_wait3A_85 : memref<128x128xf32, #tpu.memory_space<vmem_shared>>)
      tpu.yield
    }) : () -> ()
    %add3A_61 = arith.constant 256 : i32
    %add3A_62 = arith.addi %mul3A_0, %add3A_61 : i32
    "tpu.region"() ({
      %run_scoped3A = tpu.sem_alloc : memref<!tpu.dma_semaphore, #tpu.memory_space<semaphore_mem>>
      %dma_start3A = arith.constant 0 : i32
      %dma_start3A_80 = tpu.memref_slice %arg12[%add3A_62, %dma_start3A] : memref<10240x128xf32, #tpu.memory_space<vmem_shared>> -> memref<128x128xf32, #tpu.memory_space<vmem_shared>>
      %dma_start3A_81 = arith.constant 0 : i32
      %dma_start3A_82 = tpu.memref_slice %arg12[%add3A_62, %dma_start3A_81] : memref<10240x128xf32, #tpu.memory_space<vmem_shared>> -> memref<128x128xf32, #tpu.memory_space<vmem_shared>>
      tpu.enqueue_dma source(%arg9 : memref<128x128xf32, #tpu.memory_space<vmem>>) target(%dma_start3A_82 : memref<128x128xf32, #tpu.memory_space<vmem_shared>>) target_semaphore(%run_scoped3A : memref<!tpu.dma_semaphore, #tpu.memory_space<semaphore_mem>>)
      %dma_wait3A = arith.constant 0 : i32
      %dma_wait3A_83 = tpu.memref_slice %arg12[%add3A_62, %dma_wait3A] : memref<10240x128xf32, #tpu.memory_space<vmem_shared>> -> memref<128x128xf32, #tpu.memory_space<vmem_shared>>
      %dma_wait3A_84 = arith.constant 0 : i32
      %dma_wait3A_85 = tpu.memref_slice %arg12[%add3A_62, %dma_wait3A_84] : memref<10240x128xf32, #tpu.memory_space<vmem_shared>> -> memref<128x128xf32, #tpu.memory_space<vmem_shared>>
      tpu.wait_dma2 semaphore(%run_scoped3A : memref<!tpu.dma_semaphore, #tpu.memory_space<semaphore_mem>>) src(%arg9 : memref<128x128xf32, #tpu.memory_space<vmem>>) dst(%dma_wait3A_85 : memref<128x128xf32, #tpu.memory_space<vmem_shared>>)
      tpu.yield
    }) : () -> ()
    %add3A_63 = arith.constant 384 : i32
    %add3A_64 = arith.addi %mul3A_0, %add3A_63 : i32
    "tpu.region"() ({
      %run_scoped3A = tpu.sem_alloc : memref<!tpu.dma_semaphore, #tpu.memory_space<semaphore_mem>>
      %dma_start3A = arith.constant 0 : i32
      %dma_start3A_80 = tpu.memref_slice %arg12[%add3A_64, %dma_start3A] : memref<10240x128xf32, #tpu.memory_space<vmem_shared>> -> memref<128x128xf32, #tpu.memory_space<vmem_shared>>
      %dma_start3A_81 = arith.constant 0 : i32
      %dma_start3A_82 = tpu.memref_slice %arg12[%add3A_64, %dma_start3A_81] : memref<10240x128xf32, #tpu.memory_space<vmem_shared>> -> memref<128x128xf32, #tpu.memory_space<vmem_shared>>
      tpu.enqueue_dma source(%arg9 : memref<128x128xf32, #tpu.memory_space<vmem>>) target(%dma_start3A_82 : memref<128x128xf32, #tpu.memory_space<vmem_shared>>) target_semaphore(%run_scoped3A : memref<!tpu.dma_semaphore, #tpu.memory_space<semaphore_mem>>)
      %dma_wait3A = arith.constant 0 : i32
      %dma_wait3A_83 = tpu.memref_slice %arg12[%add3A_64, %dma_wait3A] : memref<10240x128xf32, #tpu.memory_space<vmem_shared>> -> memref<128x128xf32, #tpu.memory_space<vmem_shared>>
      %dma_wait3A_84 = arith.constant 0 : i32
      %dma_wait3A_85 = tpu.memref_slice %arg12[%add3A_64, %dma_wait3A_84] : memref<10240x128xf32, #tpu.memory_space<vmem_shared>> -> memref<128x128xf32, #tpu.memory_space<vmem_shared>>
      tpu.wait_dma2 semaphore(%run_scoped3A : memref<!tpu.dma_semaphore, #tpu.memory_space<semaphore_mem>>) src(%arg9 : memref<128x128xf32, #tpu.memory_space<vmem>>) dst(%dma_wait3A_85 : memref<128x128xf32, #tpu.memory_space<vmem_shared>>)
      tpu.yield
    }) : () -> ()
    %add3A_65 = arith.constant 512 : i32
    %add3A_66 = arith.addi %mul3A_0, %add3A_65 : i32
    "tpu.region"() ({
      %run_scoped3A = tpu.sem_alloc : memref<!tpu.dma_semaphore, #tpu.memory_space<semaphore_mem>>
      %dma_start3A = arith.constant 0 : i32
      %dma_start3A_80 = tpu.memref_slice %arg12[%add3A_66, %dma_start3A] : memref<10240x128xf32, #tpu.memory_space<vmem_shared>> -> memref<128x128xf32, #tpu.memory_space<vmem_shared>>
      %dma_start3A_81 = arith.constant 0 : i32
      %dma_start3A_82 = tpu.memref_slice %arg12[%add3A_66, %dma_start3A_81] : memref<10240x128xf32, #tpu.memory_space<vmem_shared>> -> memref<128x128xf32, #tpu.memory_space<vmem_shared>>
      tpu.enqueue_dma source(%arg9 : memref<128x128xf32, #tpu.memory_space<vmem>>) target(%dma_start3A_82 : memref<128x128xf32, #tpu.memory_space<vmem_shared>>) target_semaphore(%run_scoped3A : memref<!tpu.dma_semaphore, #tpu.memory_space<semaphore_mem>>)
      %dma_wait3A = arith.constant 0 : i32
      %dma_wait3A_83 = tpu.memref_slice %arg12[%add3A_66, %dma_wait3A] : memref<10240x128xf32, #tpu.memory_space<vmem_shared>> -> memref<128x128xf32, #tpu.memory_space<vmem_shared>>
      %dma_wait3A_84 = arith.constant 0 : i32
      %dma_wait3A_85 = tpu.memref_slice %arg12[%add3A_66, %dma_wait3A_84] : memref<10240x128xf32, #tpu.memory_space<vmem_shared>> -> memref<128x128xf32, #tpu.memory_space<vmem_shared>>
      tpu.wait_dma2 semaphore(%run_scoped3A : memref<!tpu.dma_semaphore, #tpu.memory_space<semaphore_mem>>) src(%arg9 : memref<128x128xf32, #tpu.memory_space<vmem>>) dst(%dma_wait3A_85 : memref<128x128xf32, #tpu.memory_space<vmem_shared>>)
      tpu.yield
    }) : () -> ()
    "tpu.region"() ({
      %run_scoped3A = tpu.sem_alloc : memref<!tpu.dma_semaphore, #tpu.memory_space<semaphore_mem>>
      %dma_start3A = tpu.memref_slice %arg13[%mul3A_0] : memref<10240xf32, #tpu.memory_space<vmem_shared>> -> memref<640xf32, #tpu.memory_space<vmem_shared>>
      %dma_start3A_80 = tpu.memref_slice %arg13[%mul3A_0] : memref<10240xf32, #tpu.memory_space<vmem_shared>> -> memref<640xf32, #tpu.memory_space<vmem_shared>>
      tpu.enqueue_dma source(%arg10 : memref<640xf32, #tpu.memory_space<vmem>>) target(%dma_start3A_80 : memref<640xf32, #tpu.memory_space<vmem_shared>>) target_semaphore(%run_scoped3A : memref<!tpu.dma_semaphore, #tpu.memory_space<semaphore_mem>>)
      %dma_wait3A = tpu.memref_slice %arg13[%mul3A_0] : memref<10240xf32, #tpu.memory_space<vmem_shared>> -> memref<640xf32, #tpu.memory_space<vmem_shared>>
      %dma_wait3A_81 = tpu.memref_slice %arg13[%mul3A_0] : memref<10240xf32, #tpu.memory_space<vmem_shared>> -> memref<640xf32, #tpu.memory_space<vmem_shared>>
      tpu.wait_dma2 semaphore(%run_scoped3A : memref<!tpu.dma_semaphore, #tpu.memory_space<semaphore_mem>>) src(%arg10 : memref<640xf32, #tpu.memory_space<vmem>>) dst(%dma_wait3A_81 : memref<640xf32, #tpu.memory_space<vmem_shared>>)
      tpu.yield
    }) : () -> ()
    %barrier3A = arith.constant 0 : index
    tpu.barrier barrier_id(%barrier3A)
    %mul3A_67 = arith.constant 80 : i32
    %mul3A_68 = arith.muli %arg1, %mul3A_67 : i32
    "tpu.region"() ({
      %run_scoped3A = tpu.sem_alloc : memref<!tpu.dma_semaphore, #tpu.memory_space<semaphore_mem>>
      %dma_start3A = arith.constant 0 : i32
      %dma_start3A_80 = tpu.memref_slice %arg3[%arg0, %mul3A_68, %dma_start3A] : memref<2x1280x128xi32, #tpu.memory_space<hbm>> -> memref<1x80x128xi32, #tpu.memory_space<hbm>>
      %dma_start3A_81 = tpu.memref_squeeze %dma_start3A_80 : memref<1x80x128xi32, #tpu.memory_space<hbm>> -> memref<80x128xi32, #tpu.memory_space<hbm>>
      %dma_start3A_82 = arith.constant 0 : i32
      %dma_start3A_83 = tpu.memref_slice %arg3[%arg0, %mul3A_68, %dma_start3A_82] : memref<2x1280x128xi32, #tpu.memory_space<hbm>> -> memref<1x80x128xi32, #tpu.memory_space<hbm>>
      %dma_start3A_84 = tpu.memref_squeeze %dma_start3A_83 : memref<1x80x128xi32, #tpu.memory_space<hbm>> -> memref<80x128xi32, #tpu.memory_space<hbm>>
      tpu.enqueue_dma source(%dma_start3A_84 : memref<80x128xi32, #tpu.memory_space<hbm>>) target(%arg7 : memref<80x128xi32, #tpu.memory_space<vmem>>) target_semaphore(%run_scoped3A : memref<!tpu.dma_semaphore, #tpu.memory_space<semaphore_mem>>)
      %dma_wait3A = arith.constant 0 : i32
      %dma_wait3A_85 = tpu.memref_slice %arg3[%arg0, %mul3A_68, %dma_wait3A] : memref<2x1280x128xi32, #tpu.memory_space<hbm>> -> memref<1x80x128xi32, #tpu.memory_space<hbm>>
      %dma_wait3A_86 = tpu.memref_squeeze %dma_wait3A_85 : memref<1x80x128xi32, #tpu.memory_space<hbm>> -> memref<80x128xi32, #tpu.memory_space<hbm>>
      %dma_wait3A_87 = arith.constant 0 : i32
      %dma_wait3A_88 = tpu.memref_slice %arg3[%arg0, %mul3A_68, %dma_wait3A_87] : memref<2x1280x128xi32, #tpu.memory_space<hbm>> -> memref<1x80x128xi32, #tpu.memory_space<hbm>>
      %dma_wait3A_89 = tpu.memref_squeeze %dma_wait3A_88 : memref<1x80x128xi32, #tpu.memory_space<hbm>> -> memref<80x128xi32, #tpu.memory_space<hbm>>
      tpu.wait_dma2 semaphore(%run_scoped3A : memref<!tpu.dma_semaphore, #tpu.memory_space<semaphore_mem>>) src(%dma_wait3A_89 : memref<80x128xi32, #tpu.memory_space<hbm>>) dst(%arg7 : memref<80x128xi32, #tpu.memory_space<vmem>>)
      tpu.yield
    }) : () -> ()
    %mul3A_69 = arith.constant 80 : i32
    %mul3A_70 = arith.muli %arg1, %mul3A_69 : i32
    "tpu.region"() ({
      %run_scoped3A = tpu.sem_alloc : memref<!tpu.dma_semaphore, #tpu.memory_space<semaphore_mem>>
      %dma_start3A = arith.constant 0 : i32
      %dma_start3A_80 = tpu.memref_slice %arg4[%mul3A_70, %dma_start3A] : memref<1280x128xi32, #tpu.memory_space<hbm>> -> memref<80x128xi32, #tpu.memory_space<hbm>>
      %dma_start3A_81 = arith.constant 0 : i32
      %dma_start3A_82 = tpu.memref_slice %arg4[%mul3A_70, %dma_start3A_81] : memref<1280x128xi32, #tpu.memory_space<hbm>> -> memref<80x128xi32, #tpu.memory_space<hbm>>
      tpu.enqueue_dma source(%dma_start3A_82 : memref<80x128xi32, #tpu.memory_space<hbm>>) target(%arg8 : memref<80x128xi32, #tpu.memory_space<vmem>>) target_semaphore(%run_scoped3A : memref<!tpu.dma_semaphore, #tpu.memory_space<semaphore_mem>>)
      %dma_wait3A = arith.constant 0 : i32
      %dma_wait3A_83 = tpu.memref_slice %arg4[%mul3A_70, %dma_wait3A] : memref<1280x128xi32, #tpu.memory_space<hbm>> -> memref<80x128xi32, #tpu.memory_space<hbm>>
      %dma_wait3A_84 = arith.constant 0 : i32
      %dma_wait3A_85 = tpu.memref_slice %arg4[%mul3A_70, %dma_wait3A_84] : memref<1280x128xi32, #tpu.memory_space<hbm>> -> memref<80x128xi32, #tpu.memory_space<hbm>>
      tpu.wait_dma2 semaphore(%run_scoped3A : memref<!tpu.dma_semaphore, #tpu.memory_space<semaphore_mem>>) src(%dma_wait3A_85 : memref<80x128xi32, #tpu.memory_space<hbm>>) dst(%arg8 : memref<80x128xi32, #tpu.memory_space<vmem>>)
      tpu.yield
    }) : () -> ()
    %scan3A_71 = arith.constant 0 : i32
    %scan3A_72 = arith.constant 0 : i32
    %scan3A_73 = arith.constant 80 : i32
    %scan3A_74 = arith.addi %scan3A_72, %scan3A_73 : i32
    %scan3A_75 = arith.constant 1 : i32
    scf.for %scan3A_80 = %scan3A_72 to %scan3A_74 step %scan3A_75  : i32 {
      %dma_start3A = arith.constant 0 : i32
      %dma_start3A_81 = tpu.memref_slice %arg7[%scan3A_80, %dma_start3A] : memref<80x128xi32, #tpu.memory_space<vmem>> -> memref<1x128xi32, #tpu.memory_space<vmem>>
      %dma_start3A_82 = tpu.memref_squeeze %dma_start3A_81 : memref<1x128xi32, #tpu.memory_space<vmem>> -> memref<128xi32, #tpu.memory_space<vmem>>
      %dma_start3A_83 = arith.constant 0 : i32
      %dma_start3A_84 = arith.constant 0 : i32
      %dma_start3A_85 = tpu.memref_slice %arg2[%dma_start3A_83, %dma_start3A_84] : memref<20480x128xf32, #tpu.memory_space<hbm>> -> memref<20480x128xf32, #tpu.memory_space<hbm>>
      tpu.enqueue_indirect_dma source(%dma_start3A_85 : memref<20480x128xf32, #tpu.memory_space<hbm>>) target(%arg9 : memref<128x128xf32, #tpu.memory_space<vmem>>) offsets(%dma_start3A_82 : memref<128xi32, #tpu.memory_space<vmem>>) semaphore(%arg14 : memref<!tpu.dma_semaphore, #tpu.memory_space<semaphore_mem>>)
      %dma_wait3A = arith.constant 0 : i32
      %dma_wait3A_86 = tpu.memref_slice %arg7[%scan3A_80, %dma_wait3A] : memref<80x128xi32, #tpu.memory_space<vmem>> -> memref<1x128xi32, #tpu.memory_space<vmem>>
      %dma_wait3A_87 = tpu.memref_squeeze %dma_wait3A_86 : memref<1x128xi32, #tpu.memory_space<vmem>> -> memref<128xi32, #tpu.memory_space<vmem>>
      %dma_wait3A_88 = arith.constant 0 : i32
      %dma_wait3A_89 = arith.constant 0 : i32
      %dma_wait3A_90 = tpu.memref_slice %arg2[%dma_wait3A_88, %dma_wait3A_89] : memref<20480x128xf32, #tpu.memory_space<hbm>> -> memref<20480x128xf32, #tpu.memory_space<hbm>>
      tpu.wait_indirect_dma semaphore(%arg14 : memref<!tpu.dma_semaphore, #tpu.memory_space<semaphore_mem>>) src(%dma_wait3A_90 : memref<20480x128xf32, #tpu.memory_space<hbm>>) dst(%arg9 : memref<128x128xf32, #tpu.memory_space<vmem>>)
      "tpu.region"() ({
        %run_scoped3A = tpu.sem_alloc : memref<!tpu.dma_semaphore, #tpu.memory_space<semaphore_mem>>
        %dma_start3A_96 = arith.constant 0 : i32
        %dma_start3A_97 = tpu.memref_slice %arg8[%scan3A_80, %dma_start3A_96] : memref<80x128xi32, #tpu.memory_space<vmem>> -> memref<1x128xi32, #tpu.memory_space<vmem>>
        %dma_start3A_98 = tpu.memref_squeeze %dma_start3A_97 : memref<1x128xi32, #tpu.memory_space<vmem>> -> memref<128xi32, #tpu.memory_space<vmem>>
        %dma_start3A_99 = arith.constant 0 : i32
        %dma_start3A_100 = arith.constant 0 : i32
        %dma_start3A_101 = tpu.memref_slice %arg12[%dma_start3A_99, %dma_start3A_100] : memref<10240x128xf32, #tpu.memory_space<vmem_shared>> -> memref<10240x128xf32, #tpu.memory_space<vmem_shared>>
        tpu.enqueue_indirect_dma source(%arg9 : memref<128x128xf32, #tpu.memory_space<vmem>>) target(%dma_start3A_101 : memref<10240x128xf32, #tpu.memory_space<vmem_shared>>) offsets(%dma_start3A_98 : memref<128xi32, #tpu.memory_space<vmem>>) semaphore(%run_scoped3A : memref<!tpu.dma_semaphore, #tpu.memory_space<semaphore_mem>>) {add = true}
        %dma_wait3A_102 = arith.constant 0 : i32
        %dma_wait3A_103 = tpu.memref_slice %arg8[%scan3A_80, %dma_wait3A_102] : memref<80x128xi32, #tpu.memory_space<vmem>> -> memref<1x128xi32, #tpu.memory_space<vmem>>
        %dma_wait3A_104 = tpu.memref_squeeze %dma_wait3A_103 : memref<1x128xi32, #tpu.memory_space<vmem>> -> memref<128xi32, #tpu.memory_space<vmem>>
        %dma_wait3A_105 = arith.constant 0 : i32
        %dma_wait3A_106 = arith.constant 0 : i32
        %dma_wait3A_107 = tpu.memref_slice %arg12[%dma_wait3A_105, %dma_wait3A_106] : memref<10240x128xf32, #tpu.memory_space<vmem_shared>> -> memref<10240x128xf32, #tpu.memory_space<vmem_shared>>
        tpu.wait_indirect_dma semaphore(%run_scoped3A : memref<!tpu.dma_semaphore, #tpu.memory_space<semaphore_mem>>) src(%arg9 : memref<128x128xf32, #tpu.memory_space<vmem>>) dst(%dma_wait3A_107 : memref<10240x128xf32, #tpu.memory_space<vmem_shared>>)
        tpu.yield
      }) : () -> ()
      %eq3A_91 = arith.constant 0 : i32
      %eq3A_92 = arith.cmpi eq, %arg0, %eq3A_91 : i32
      %convert_element_type3A_93 = arith.extui %eq3A_92 : i1 to i32
      %cond3A_94 = arith.constant 0 : i32
      %cond3A_95 = arith.cmpi ne, %convert_element_type3A_93, %cond3A_94 : i32
      scf.if %cond3A_95 {
        "tpu.region"() ({
          %run_scoped3A = tpu.sem_alloc : memref<!tpu.dma_semaphore, #tpu.memory_space<semaphore_mem>>
          %dma_start3A_96 = arith.constant 0 : i32
          %dma_start3A_97 = tpu.memref_slice %arg8[%scan3A_80, %dma_start3A_96] : memref<80x128xi32, #tpu.memory_space<vmem>> -> memref<1x128xi32, #tpu.memory_space<vmem>>
          %dma_start3A_98 = tpu.memref_squeeze %dma_start3A_97 : memref<1x128xi32, #tpu.memory_space<vmem>> -> memref<128xi32, #tpu.memory_space<vmem>>
          %dma_start3A_99 = arith.constant 0 : i32
          %dma_start3A_100 = tpu.memref_slice %arg13[%dma_start3A_99] : memref<10240xf32, #tpu.memory_space<vmem_shared>> -> memref<10240xf32, #tpu.memory_space<vmem_shared>>
          tpu.enqueue_indirect_dma source(%arg11 : memref<128xf32, #tpu.memory_space<vmem>>) target(%dma_start3A_100 : memref<10240xf32, #tpu.memory_space<vmem_shared>>) offsets(%dma_start3A_98 : memref<128xi32, #tpu.memory_space<vmem>>) semaphore(%run_scoped3A : memref<!tpu.dma_semaphore, #tpu.memory_space<semaphore_mem>>) {add = true}
          %dma_wait3A_101 = arith.constant 0 : i32
          %dma_wait3A_102 = tpu.memref_slice %arg8[%scan3A_80, %dma_wait3A_101] : memref<80x128xi32, #tpu.memory_space<vmem>> -> memref<1x128xi32, #tpu.memory_space<vmem>>
          %dma_wait3A_103 = tpu.memref_squeeze %dma_wait3A_102 : memref<1x128xi32, #tpu.memory_space<vmem>> -> memref<128xi32, #tpu.memory_space<vmem>>
          %dma_wait3A_104 = arith.constant 0 : i32
          %dma_wait3A_105 = tpu.memref_slice %arg13[%dma_wait3A_104] : memref<10240xf32, #tpu.memory_space<vmem_shared>> -> memref<10240xf32, #tpu.memory_space<vmem_shared>>
          tpu.wait_indirect_dma semaphore(%run_scoped3A : memref<!tpu.dma_semaphore, #tpu.memory_space<semaphore_mem>>) src(%arg11 : memref<128xf32, #tpu.memory_space<vmem>>) dst(%dma_wait3A_105 : memref<10240xf32, #tpu.memory_space<vmem_shared>>)
          tpu.yield
        }) : () -> ()
      } else {
      }
    }
    %scan3A_76 = arith.constant 80 : i32
    %barrier3A_77 = arith.constant 0 : index
    tpu.barrier barrier_id(%barrier3A_77)
    "tpu.region"() ({
      %run_scoped3A = tpu.sem_alloc : memref<!tpu.dma_semaphore, #tpu.memory_space<semaphore_mem>>
      %dma_start3A = arith.constant 0 : i32
      %dma_start3A_80 = tpu.memref_slice %arg5[%arg0, %mul3A_0, %dma_start3A] : memref<2x10240x128xf32, #tpu.memory_space<hbm>> -> memref<1x640x128xf32, #tpu.memory_space<hbm>>
      %dma_start3A_81 = tpu.memref_squeeze %dma_start3A_80 : memref<1x640x128xf32, #tpu.memory_space<hbm>> -> memref<640x128xf32, #tpu.memory_space<hbm>>
      %dma_start3A_82 = arith.constant 0 : i32
      %dma_start3A_83 = tpu.memref_slice %arg12[%mul3A_0, %dma_start3A_82] : memref<10240x128xf32, #tpu.memory_space<vmem_shared>> -> memref<640x128xf32, #tpu.memory_space<vmem_shared>>
      tpu.enqueue_dma source(%dma_start3A_83 : memref<640x128xf32, #tpu.memory_space<vmem_shared>>) target(%dma_start3A_81 : memref<640x128xf32, #tpu.memory_space<hbm>>) target_semaphore(%run_scoped3A : memref<!tpu.dma_semaphore, #tpu.memory_space<semaphore_mem>>)
      %dma_wait3A = arith.constant 0 : i32
      %dma_wait3A_84 = tpu.memref_slice %arg5[%arg0, %mul3A_0, %dma_wait3A] : memref<2x10240x128xf32, #tpu.memory_space<hbm>> -> memref<1x640x128xf32, #tpu.memory_space<hbm>>
      %dma_wait3A_85 = tpu.memref_squeeze %dma_wait3A_84 : memref<1x640x128xf32, #tpu.memory_space<hbm>> -> memref<640x128xf32, #tpu.memory_space<hbm>>
      %dma_wait3A_86 = arith.constant 0 : i32
      %dma_wait3A_87 = tpu.memref_slice %arg12[%mul3A_0, %dma_wait3A_86] : memref<10240x128xf32, #tpu.memory_space<vmem_shared>> -> memref<640x128xf32, #tpu.memory_space<vmem_shared>>
      tpu.wait_dma2 semaphore(%run_scoped3A : memref<!tpu.dma_semaphore, #tpu.memory_space<semaphore_mem>>) src(%dma_wait3A_87 : memref<640x128xf32, #tpu.memory_space<vmem_shared>>) dst(%dma_wait3A_85 : memref<640x128xf32, #tpu.memory_space<hbm>>)
      tpu.yield
    }) : () -> ()
    %eq3A = arith.constant 0 : i32
    %eq3A_78 = arith.cmpi eq, %arg0, %eq3A : i32
    %convert_element_type3A = arith.extui %eq3A_78 : i1 to i32
    %cond3A = arith.constant 0 : i32
    %cond3A_79 = arith.cmpi ne, %convert_element_type3A, %cond3A : i32
    scf.if %cond3A_79 {
      "tpu.region"() ({
        %run_scoped3A = tpu.sem_alloc : memref<!tpu.dma_semaphore, #tpu.memory_space<semaphore_mem>>
        %dma_start3A = tpu.memref_slice %arg6[%mul3A_0] : memref<10240xf32, #tpu.memory_space<hbm>> -> memref<640xf32, #tpu.memory_space<hbm>>
        %dma_start3A_80 = tpu.memref_slice %arg13[%mul3A_0] : memref<10240xf32, #tpu.memory_space<vmem_shared>> -> memref<640xf32, #tpu.memory_space<vmem_shared>>
        tpu.enqueue_dma source(%dma_start3A_80 : memref<640xf32, #tpu.memory_space<vmem_shared>>) target(%dma_start3A : memref<640xf32, #tpu.memory_space<hbm>>) target_semaphore(%run_scoped3A : memref<!tpu.dma_semaphore, #tpu.memory_space<semaphore_mem>>)
        %dma_wait3A = tpu.memref_slice %arg6[%mul3A_0] : memref<10240xf32, #tpu.memory_space<hbm>> -> memref<640xf32, #tpu.memory_space<hbm>>
        %dma_wait3A_81 = tpu.memref_slice %arg13[%mul3A_0] : memref<10240xf32, #tpu.memory_space<vmem_shared>> -> memref<640xf32, #tpu.memory_space<vmem_shared>>
        tpu.wait_dma2 semaphore(%run_scoped3A : memref<!tpu.dma_semaphore, #tpu.memory_space<semaphore_mem>>) src(%dma_wait3A_81 : memref<640xf32, #tpu.memory_space<vmem_shared>>) dst(%dma_wait3A : memref<640xf32, #tpu.memory_space<hbm>>)
        tpu.yield
      }) : () -> ()
    } else {
    }
    return
  }
}

#map = affine_map<(d0, d1) -> (0, 0)>
#map1 = affine_map<(d0, d1) -> (0, 0, 0)>
module attributes {stable_mosaic.version = 14 : i64} {
  func.func @agg(%arg0: i32, %arg1: i32, %arg2: memref<20480x128xf32, #tpu.memory_space<hbm>>, %arg3: memref<2x1280x128xi32, #tpu.memory_space<hbm>>, %arg4: memref<1280x128xi32, #tpu.memory_space<hbm>>, %arg5: memref<2x10240x128xf32, #tpu.memory_space<hbm>>, %arg6: memref<80x128xi32, #tpu.memory_space<vmem>>, %arg7: memref<80x128xi32, #tpu.memory_space<vmem>>, %arg8: memref<128x128xf32, #tpu.memory_space<vmem>>, %arg9: memref<640xf32, #tpu.memory_space<vmem>>, %arg10: memref<128xf32, #tpu.memory_space<vmem>>, %arg11: memref<10240x128xf32, #tpu.memory_space<vmem_shared>>, %arg12: memref<10240xf32, #tpu.memory_space<vmem_shared>>, %arg13: memref<!tpu.dma_semaphore, #tpu.memory_space<semaphore_mem>>) attributes {dimension_semantics = [#tpu.dimension_semantics<core_parallel>, #tpu.dimension_semantics<subcore_parallel>], iteration_bounds = array<i64: 2, 16>, scalar_prefetch = 0 : i64, scratch_operands = 8 : i64, tpu.core_type = #tpu.core_type<sc_vector_subcore>, window_params = [{transform_indices = #map}, {transform_indices = #map1}, {transform_indices = #map}, {transform_indices = #map1}]} {
    %mul3A = arith.constant 640 : i32
    %mul3A_0 = arith.muli %arg1, %mul3A : i32
    %scan3A = arith.constant 0 : i32
    %scan3A_1 = arith.constant 0 : i32
    %scan3A_2 = arith.constant 128 : i32
    %scan3A_3 = arith.addi %scan3A_1, %scan3A_2 : i32
    %scan3A_4 = arith.constant 1 : i32
    scf.for %scan3A_78 = %scan3A_1 to %scan3A_3 step %scan3A_4  : i32 {
      %broadcast_in_dim3A_79 = arith.constant 0.000000e+00 : f32
      %broadcast_in_dim3A_80 = vector.broadcast %broadcast_in_dim3A_79 : f32 to vector<16xf32>
      %swap3A_81 = arith.index_cast %scan3A_78 : i32 to index
      %swap3A_82 = arith.constant 0 : index
      %swap3A_83 = tpu.vector_load %arg8[%swap3A_81, %swap3A_82] {strides = array<i32>} : memref<128x128xf32, #tpu.memory_space<vmem>>, vector<1x16xf32>,
      %swap3A_84 = vector.shape_cast %swap3A_83 : vector<1x16xf32> to vector<16xf32>
      %swap3A_85 = vector.shape_cast %broadcast_in_dim3A_80 : vector<16xf32> to vector<1x16xf32>
      tpu.vector_store %arg8[%swap3A_81, %swap3A_82], %swap3A_85 {strides = array<i32>} : memref<128x128xf32, #tpu.memory_space<vmem>>, vector<1x16xf32>,
      %broadcast_in_dim3A_86 = arith.constant 0.000000e+00 : f32
      %broadcast_in_dim3A_87 = vector.broadcast %broadcast_in_dim3A_86 : f32 to vector<16xf32>
      %swap3A_88 = arith.index_cast %scan3A_78 : i32 to index
      %swap3A_89 = arith.constant 16 : index
      %swap3A_90 = tpu.vector_load %arg8[%swap3A_88, %swap3A_89] {strides = array<i32>} : memref<128x128xf32, #tpu.memory_space<vmem>>, vector<1x16xf32>,
      %swap3A_91 = vector.shape_cast %swap3A_90 : vector<1x16xf32> to vector<16xf32>
      %swap3A_92 = vector.shape_cast %broadcast_in_dim3A_87 : vector<16xf32> to vector<1x16xf32>
      tpu.vector_store %arg8[%swap3A_88, %swap3A_89], %swap3A_92 {strides = array<i32>} : memref<128x128xf32, #tpu.memory_space<vmem>>, vector<1x16xf32>,
      %broadcast_in_dim3A_93 = arith.constant 0.000000e+00 : f32
      %broadcast_in_dim3A_94 = vector.broadcast %broadcast_in_dim3A_93 : f32 to vector<16xf32>
      %swap3A_95 = arith.index_cast %scan3A_78 : i32 to index
      %swap3A_96 = arith.constant 32 : index
      %swap3A_97 = tpu.vector_load %arg8[%swap3A_95, %swap3A_96] {strides = array<i32>} : memref<128x128xf32, #tpu.memory_space<vmem>>, vector<1x16xf32>,
      %swap3A_98 = vector.shape_cast %swap3A_97 : vector<1x16xf32> to vector<16xf32>
      %swap3A_99 = vector.shape_cast %broadcast_in_dim3A_94 : vector<16xf32> to vector<1x16xf32>
      tpu.vector_store %arg8[%swap3A_95, %swap3A_96], %swap3A_99 {strides = array<i32>} : memref<128x128xf32, #tpu.memory_space<vmem>>, vector<1x16xf32>,
      %broadcast_in_dim3A_100 = arith.constant 0.000000e+00 : f32
      %broadcast_in_dim3A_101 = vector.broadcast %broadcast_in_dim3A_100 : f32 to vector<16xf32>
      %swap3A_102 = arith.index_cast %scan3A_78 : i32 to index
      %swap3A_103 = arith.constant 48 : index
      %swap3A_104 = tpu.vector_load %arg8[%swap3A_102, %swap3A_103] {strides = array<i32>} : memref<128x128xf32, #tpu.memory_space<vmem>>, vector<1x16xf32>,
      %swap3A_105 = vector.shape_cast %swap3A_104 : vector<1x16xf32> to vector<16xf32>
      %swap3A_106 = vector.shape_cast %broadcast_in_dim3A_101 : vector<16xf32> to vector<1x16xf32>
      tpu.vector_store %arg8[%swap3A_102, %swap3A_103], %swap3A_106 {strides = array<i32>} : memref<128x128xf32, #tpu.memory_space<vmem>>, vector<1x16xf32>,
      %broadcast_in_dim3A_107 = arith.constant 0.000000e+00 : f32
      %broadcast_in_dim3A_108 = vector.broadcast %broadcast_in_dim3A_107 : f32 to vector<16xf32>
      %swap3A_109 = arith.index_cast %scan3A_78 : i32 to index
      %swap3A_110 = arith.constant 64 : index
      %swap3A_111 = tpu.vector_load %arg8[%swap3A_109, %swap3A_110] {strides = array<i32>} : memref<128x128xf32, #tpu.memory_space<vmem>>, vector<1x16xf32>,
      %swap3A_112 = vector.shape_cast %swap3A_111 : vector<1x16xf32> to vector<16xf32>
      %swap3A_113 = vector.shape_cast %broadcast_in_dim3A_108 : vector<16xf32> to vector<1x16xf32>
      tpu.vector_store %arg8[%swap3A_109, %swap3A_110], %swap3A_113 {strides = array<i32>} : memref<128x128xf32, #tpu.memory_space<vmem>>, vector<1x16xf32>,
      %broadcast_in_dim3A_114 = arith.constant 0.000000e+00 : f32
      %broadcast_in_dim3A_115 = vector.broadcast %broadcast_in_dim3A_114 : f32 to vector<16xf32>
      %swap3A_116 = arith.index_cast %scan3A_78 : i32 to index
      %swap3A_117 = arith.constant 80 : index
      %swap3A_118 = tpu.vector_load %arg8[%swap3A_116, %swap3A_117] {strides = array<i32>} : memref<128x128xf32, #tpu.memory_space<vmem>>, vector<1x16xf32>,
      %swap3A_119 = vector.shape_cast %swap3A_118 : vector<1x16xf32> to vector<16xf32>
      %swap3A_120 = vector.shape_cast %broadcast_in_dim3A_115 : vector<16xf32> to vector<1x16xf32>
      tpu.vector_store %arg8[%swap3A_116, %swap3A_117], %swap3A_120 {strides = array<i32>} : memref<128x128xf32, #tpu.memory_space<vmem>>, vector<1x16xf32>,
      %broadcast_in_dim3A_121 = arith.constant 0.000000e+00 : f32
      %broadcast_in_dim3A_122 = vector.broadcast %broadcast_in_dim3A_121 : f32 to vector<16xf32>
      %swap3A_123 = arith.index_cast %scan3A_78 : i32 to index
      %swap3A_124 = arith.constant 96 : index
      %swap3A_125 = tpu.vector_load %arg8[%swap3A_123, %swap3A_124] {strides = array<i32>} : memref<128x128xf32, #tpu.memory_space<vmem>>, vector<1x16xf32>,
      %swap3A_126 = vector.shape_cast %swap3A_125 : vector<1x16xf32> to vector<16xf32>
      %swap3A_127 = vector.shape_cast %broadcast_in_dim3A_122 : vector<16xf32> to vector<1x16xf32>
      tpu.vector_store %arg8[%swap3A_123, %swap3A_124], %swap3A_127 {strides = array<i32>} : memref<128x128xf32, #tpu.memory_space<vmem>>, vector<1x16xf32>,
      %broadcast_in_dim3A_128 = arith.constant 0.000000e+00 : f32
      %broadcast_in_dim3A_129 = vector.broadcast %broadcast_in_dim3A_128 : f32 to vector<16xf32>
      %swap3A_130 = arith.index_cast %scan3A_78 : i32 to index
      %swap3A_131 = arith.constant 112 : index
      %swap3A_132 = tpu.vector_load %arg8[%swap3A_130, %swap3A_131] {strides = array<i32>} : memref<128x128xf32, #tpu.memory_space<vmem>>, vector<1x16xf32>,
      %swap3A_133 = vector.shape_cast %swap3A_132 : vector<1x16xf32> to vector<16xf32>
      %swap3A_134 = vector.shape_cast %broadcast_in_dim3A_129 : vector<16xf32> to vector<1x16xf32>
      tpu.vector_store %arg8[%swap3A_130, %swap3A_131], %swap3A_134 {strides = array<i32>} : memref<128x128xf32, #tpu.memory_space<vmem>>, vector<1x16xf32>,
    }
    %scan3A_5 = arith.constant 128 : i32
    %scan3A_6 = arith.constant 0 : i32
    %scan3A_7 = arith.constant 0 : i32
    %scan3A_8 = arith.constant 40 : i32
    %scan3A_9 = arith.addi %scan3A_7, %scan3A_8 : i32
    %scan3A_10 = arith.constant 1 : i32
    scf.for %scan3A_78 = %scan3A_7 to %scan3A_9 step %scan3A_10  : i32 {
      %broadcast_in_dim3A_79 = arith.constant 0.000000e+00 : f32
      %broadcast_in_dim3A_80 = vector.broadcast %broadcast_in_dim3A_79 : f32 to vector<16xf32>
      %mul3A_81 = arith.constant 16 : i32
      %mul3A_82 = arith.muli %scan3A_78, %mul3A_81 : i32
      %swap3A_83 = arith.index_cast %mul3A_82 : i32 to index
      %swap3A_84 = tpu.vector_load %arg9[%swap3A_83] {strides = array<i32>} : memref<640xf32, #tpu.memory_space<vmem>>, vector<16xf32>,
      %swap3A_85 = vector.shape_cast %swap3A_84 : vector<16xf32> to vector<16xf32>
      %swap3A_86 = vector.shape_cast %broadcast_in_dim3A_80 : vector<16xf32> to vector<16xf32>
      tpu.vector_store %arg9[%swap3A_83], %swap3A_86 {strides = array<i32>} : memref<640xf32, #tpu.memory_space<vmem>>, vector<16xf32>,
    }
    %scan3A_11 = arith.constant 40 : i32
    %broadcast_in_dim3A = arith.constant 1.000000e+00 : f32
    %broadcast_in_dim3A_12 = vector.broadcast %broadcast_in_dim3A : f32 to vector<16xf32>
    %swap3A = arith.constant 0 : index
    %swap3A_13 = tpu.vector_load %arg10[%swap3A] {strides = array<i32>} : memref<128xf32, #tpu.memory_space<vmem>>, vector<16xf32>,
    %swap3A_14 = vector.shape_cast %swap3A_13 : vector<16xf32> to vector<16xf32>
    %swap3A_15 = vector.shape_cast %broadcast_in_dim3A_12 : vector<16xf32> to vector<16xf32>
    tpu.vector_store %arg10[%swap3A], %swap3A_15 {strides = array<i32>} : memref<128xf32, #tpu.memory_space<vmem>>, vector<16xf32>,
    %broadcast_in_dim3A_16 = arith.constant 1.000000e+00 : f32
    %broadcast_in_dim3A_17 = vector.broadcast %broadcast_in_dim3A_16 : f32 to vector<16xf32>
    %swap3A_18 = arith.constant 16 : index
    %swap3A_19 = tpu.vector_load %arg10[%swap3A_18] {strides = array<i32>} : memref<128xf32, #tpu.memory_space<vmem>>, vector<16xf32>,
    %swap3A_20 = vector.shape_cast %swap3A_19 : vector<16xf32> to vector<16xf32>
    %swap3A_21 = vector.shape_cast %broadcast_in_dim3A_17 : vector<16xf32> to vector<16xf32>
    tpu.vector_store %arg10[%swap3A_18], %swap3A_21 {strides = array<i32>} : memref<128xf32, #tpu.memory_space<vmem>>, vector<16xf32>,
    %broadcast_in_dim3A_22 = arith.constant 1.000000e+00 : f32
    %broadcast_in_dim3A_23 = vector.broadcast %broadcast_in_dim3A_22 : f32 to vector<16xf32>
    %swap3A_24 = arith.constant 32 : index
    %swap3A_25 = tpu.vector_load %arg10[%swap3A_24] {strides = array<i32>} : memref<128xf32, #tpu.memory_space<vmem>>, vector<16xf32>,
    %swap3A_26 = vector.shape_cast %swap3A_25 : vector<16xf32> to vector<16xf32>
    %swap3A_27 = vector.shape_cast %broadcast_in_dim3A_23 : vector<16xf32> to vector<16xf32>
    tpu.vector_store %arg10[%swap3A_24], %swap3A_27 {strides = array<i32>} : memref<128xf32, #tpu.memory_space<vmem>>, vector<16xf32>,
    %broadcast_in_dim3A_28 = arith.constant 1.000000e+00 : f32
    %broadcast_in_dim3A_29 = vector.broadcast %broadcast_in_dim3A_28 : f32 to vector<16xf32>
    %swap3A_30 = arith.constant 48 : index
    %swap3A_31 = tpu.vector_load %arg10[%swap3A_30] {strides = array<i32>} : memref<128xf32, #tpu.memory_space<vmem>>, vector<16xf32>,
    %swap3A_32 = vector.shape_cast %swap3A_31 : vector<16xf32> to vector<16xf32>
    %swap3A_33 = vector.shape_cast %broadcast_in_dim3A_29 : vector<16xf32> to vector<16xf32>
    tpu.vector_store %arg10[%swap3A_30], %swap3A_33 {strides = array<i32>} : memref<128xf32, #tpu.memory_space<vmem>>, vector<16xf32>,
    %broadcast_in_dim3A_34 = arith.constant 1.000000e+00 : f32
    %broadcast_in_dim3A_35 = vector.broadcast %broadcast_in_dim3A_34 : f32 to vector<16xf32>
    %swap3A_36 = arith.constant 64 : index
    %swap3A_37 = tpu.vector_load %arg10[%swap3A_36] {strides = array<i32>} : memref<128xf32, #tpu.memory_space<vmem>>, vector<16xf32>,
    %swap3A_38 = vector.shape_cast %swap3A_37 : vector<16xf32> to vector<16xf32>
    %swap3A_39 = vector.shape_cast %broadcast_in_dim3A_35 : vector<16xf32> to vector<16xf32>
    tpu.vector_store %arg10[%swap3A_36], %swap3A_39 {strides = array<i32>} : memref<128xf32, #tpu.memory_space<vmem>>, vector<16xf32>,
    %broadcast_in_dim3A_40 = arith.constant 1.000000e+00 : f32
    %broadcast_in_dim3A_41 = vector.broadcast %broadcast_in_dim3A_40 : f32 to vector<16xf32>
    %swap3A_42 = arith.constant 80 : index
    %swap3A_43 = tpu.vector_load %arg10[%swap3A_42] {strides = array<i32>} : memref<128xf32, #tpu.memory_space<vmem>>, vector<16xf32>,
    %swap3A_44 = vector.shape_cast %swap3A_43 : vector<16xf32> to vector<16xf32>
    %swap3A_45 = vector.shape_cast %broadcast_in_dim3A_41 : vector<16xf32> to vector<16xf32>
    tpu.vector_store %arg10[%swap3A_42], %swap3A_45 {strides = array<i32>} : memref<128xf32, #tpu.memory_space<vmem>>, vector<16xf32>,
    %broadcast_in_dim3A_46 = arith.constant 1.000000e+00 : f32
    %broadcast_in_dim3A_47 = vector.broadcast %broadcast_in_dim3A_46 : f32 to vector<16xf32>
    %swap3A_48 = arith.constant 96 : index
    %swap3A_49 = tpu.vector_load %arg10[%swap3A_48] {strides = array<i32>} : memref<128xf32, #tpu.memory_space<vmem>>, vector<16xf32>,
    %swap3A_50 = vector.shape_cast %swap3A_49 : vector<16xf32> to vector<16xf32>
    %swap3A_51 = vector.shape_cast %broadcast_in_dim3A_47 : vector<16xf32> to vector<16xf32>
    tpu.vector_store %arg10[%swap3A_48], %swap3A_51 {strides = array<i32>} : memref<128xf32, #tpu.memory_space<vmem>>, vector<16xf32>,
    %broadcast_in_dim3A_52 = arith.constant 1.000000e+00 : f32
    %broadcast_in_dim3A_53 = vector.broadcast %broadcast_in_dim3A_52 : f32 to vector<16xf32>
    %swap3A_54 = arith.constant 112 : index
    %swap3A_55 = tpu.vector_load %arg10[%swap3A_54] {strides = array<i32>} : memref<128xf32, #tpu.memory_space<vmem>>, vector<16xf32>,
    %swap3A_56 = vector.shape_cast %swap3A_55 : vector<16xf32> to vector<16xf32>
    %swap3A_57 = vector.shape_cast %broadcast_in_dim3A_53 : vector<16xf32> to vector<16xf32>
    tpu.vector_store %arg10[%swap3A_54], %swap3A_57 {strides = array<i32>} : memref<128xf32, #tpu.memory_space<vmem>>, vector<16xf32>,
    %add3A = arith.constant 0 : i32
    %add3A_58 = arith.addi %mul3A_0, %add3A : i32
    "tpu.region"() ({
      %run_scoped3A = tpu.sem_alloc : memref<!tpu.dma_semaphore, #tpu.memory_space<semaphore_mem>>
      %dma_start3A = arith.constant 0 : i32
      %dma_start3A_78 = tpu.memref_slice %arg11[%add3A_58, %dma_start3A] : memref<10240x128xf32, #tpu.memory_space<vmem_shared>> -> memref<128x128xf32, #tpu.memory_space<vmem_shared>>
      %dma_start3A_79 = arith.constant 0 : i32
      %dma_start3A_80 = tpu.memref_slice %arg11[%add3A_58, %dma_start3A_79] : memref<10240x128xf32, #tpu.memory_space<vmem_shared>> -> memref<128x128xf32, #tpu.memory_space<vmem_shared>>
      tpu.enqueue_dma source(%arg8 : memref<128x128xf32, #tpu.memory_space<vmem>>) target(%dma_start3A_80 : memref<128x128xf32, #tpu.memory_space<vmem_shared>>) target_semaphore(%run_scoped3A : memref<!tpu.dma_semaphore, #tpu.memory_space<semaphore_mem>>)
      %dma_wait3A = arith.constant 0 : i32
      %dma_wait3A_81 = tpu.memref_slice %arg11[%add3A_58, %dma_wait3A] : memref<10240x128xf32, #tpu.memory_space<vmem_shared>> -> memref<128x128xf32, #tpu.memory_space<vmem_shared>>
      %dma_wait3A_82 = arith.constant 0 : i32
      %dma_wait3A_83 = tpu.memref_slice %arg11[%add3A_58, %dma_wait3A_82] : memref<10240x128xf32, #tpu.memory_space<vmem_shared>> -> memref<128x128xf32, #tpu.memory_space<vmem_shared>>
      tpu.wait_dma2 semaphore(%run_scoped3A : memref<!tpu.dma_semaphore, #tpu.memory_space<semaphore_mem>>) src(%arg8 : memref<128x128xf32, #tpu.memory_space<vmem>>) dst(%dma_wait3A_83 : memref<128x128xf32, #tpu.memory_space<vmem_shared>>)
      tpu.yield
    }) : () -> ()
    %add3A_59 = arith.constant 128 : i32
    %add3A_60 = arith.addi %mul3A_0, %add3A_59 : i32
    "tpu.region"() ({
      %run_scoped3A = tpu.sem_alloc : memref<!tpu.dma_semaphore, #tpu.memory_space<semaphore_mem>>
      %dma_start3A = arith.constant 0 : i32
      %dma_start3A_78 = tpu.memref_slice %arg11[%add3A_60, %dma_start3A] : memref<10240x128xf32, #tpu.memory_space<vmem_shared>> -> memref<128x128xf32, #tpu.memory_space<vmem_shared>>
      %dma_start3A_79 = arith.constant 0 : i32
      %dma_start3A_80 = tpu.memref_slice %arg11[%add3A_60, %dma_start3A_79] : memref<10240x128xf32, #tpu.memory_space<vmem_shared>> -> memref<128x128xf32, #tpu.memory_space<vmem_shared>>
      tpu.enqueue_dma source(%arg8 : memref<128x128xf32, #tpu.memory_space<vmem>>) target(%dma_start3A_80 : memref<128x128xf32, #tpu.memory_space<vmem_shared>>) target_semaphore(%run_scoped3A : memref<!tpu.dma_semaphore, #tpu.memory_space<semaphore_mem>>)
      %dma_wait3A = arith.constant 0 : i32
      %dma_wait3A_81 = tpu.memref_slice %arg11[%add3A_60, %dma_wait3A] : memref<10240x128xf32, #tpu.memory_space<vmem_shared>> -> memref<128x128xf32, #tpu.memory_space<vmem_shared>>
      %dma_wait3A_82 = arith.constant 0 : i32
      %dma_wait3A_83 = tpu.memref_slice %arg11[%add3A_60, %dma_wait3A_82] : memref<10240x128xf32, #tpu.memory_space<vmem_shared>> -> memref<128x128xf32, #tpu.memory_space<vmem_shared>>
      tpu.wait_dma2 semaphore(%run_scoped3A : memref<!tpu.dma_semaphore, #tpu.memory_space<semaphore_mem>>) src(%arg8 : memref<128x128xf32, #tpu.memory_space<vmem>>) dst(%dma_wait3A_83 : memref<128x128xf32, #tpu.memory_space<vmem_shared>>)
      tpu.yield
    }) : () -> ()
    %add3A_61 = arith.constant 256 : i32
    %add3A_62 = arith.addi %mul3A_0, %add3A_61 : i32
    "tpu.region"() ({
      %run_scoped3A = tpu.sem_alloc : memref<!tpu.dma_semaphore, #tpu.memory_space<semaphore_mem>>
      %dma_start3A = arith.constant 0 : i32
      %dma_start3A_78 = tpu.memref_slice %arg11[%add3A_62, %dma_start3A] : memref<10240x128xf32, #tpu.memory_space<vmem_shared>> -> memref<128x128xf32, #tpu.memory_space<vmem_shared>>
      %dma_start3A_79 = arith.constant 0 : i32
      %dma_start3A_80 = tpu.memref_slice %arg11[%add3A_62, %dma_start3A_79] : memref<10240x128xf32, #tpu.memory_space<vmem_shared>> -> memref<128x128xf32, #tpu.memory_space<vmem_shared>>
      tpu.enqueue_dma source(%arg8 : memref<128x128xf32, #tpu.memory_space<vmem>>) target(%dma_start3A_80 : memref<128x128xf32, #tpu.memory_space<vmem_shared>>) target_semaphore(%run_scoped3A : memref<!tpu.dma_semaphore, #tpu.memory_space<semaphore_mem>>)
      %dma_wait3A = arith.constant 0 : i32
      %dma_wait3A_81 = tpu.memref_slice %arg11[%add3A_62, %dma_wait3A] : memref<10240x128xf32, #tpu.memory_space<vmem_shared>> -> memref<128x128xf32, #tpu.memory_space<vmem_shared>>
      %dma_wait3A_82 = arith.constant 0 : i32
      %dma_wait3A_83 = tpu.memref_slice %arg11[%add3A_62, %dma_wait3A_82] : memref<10240x128xf32, #tpu.memory_space<vmem_shared>> -> memref<128x128xf32, #tpu.memory_space<vmem_shared>>
      tpu.wait_dma2 semaphore(%run_scoped3A : memref<!tpu.dma_semaphore, #tpu.memory_space<semaphore_mem>>) src(%arg8 : memref<128x128xf32, #tpu.memory_space<vmem>>) dst(%dma_wait3A_83 : memref<128x128xf32, #tpu.memory_space<vmem_shared>>)
      tpu.yield
    }) : () -> ()
    %add3A_63 = arith.constant 384 : i32
    %add3A_64 = arith.addi %mul3A_0, %add3A_63 : i32
    "tpu.region"() ({
      %run_scoped3A = tpu.sem_alloc : memref<!tpu.dma_semaphore, #tpu.memory_space<semaphore_mem>>
      %dma_start3A = arith.constant 0 : i32
      %dma_start3A_78 = tpu.memref_slice %arg11[%add3A_64, %dma_start3A] : memref<10240x128xf32, #tpu.memory_space<vmem_shared>> -> memref<128x128xf32, #tpu.memory_space<vmem_shared>>
      %dma_start3A_79 = arith.constant 0 : i32
      %dma_start3A_80 = tpu.memref_slice %arg11[%add3A_64, %dma_start3A_79] : memref<10240x128xf32, #tpu.memory_space<vmem_shared>> -> memref<128x128xf32, #tpu.memory_space<vmem_shared>>
      tpu.enqueue_dma source(%arg8 : memref<128x128xf32, #tpu.memory_space<vmem>>) target(%dma_start3A_80 : memref<128x128xf32, #tpu.memory_space<vmem_shared>>) target_semaphore(%run_scoped3A : memref<!tpu.dma_semaphore, #tpu.memory_space<semaphore_mem>>)
      %dma_wait3A = arith.constant 0 : i32
      %dma_wait3A_81 = tpu.memref_slice %arg11[%add3A_64, %dma_wait3A] : memref<10240x128xf32, #tpu.memory_space<vmem_shared>> -> memref<128x128xf32, #tpu.memory_space<vmem_shared>>
      %dma_wait3A_82 = arith.constant 0 : i32
      %dma_wait3A_83 = tpu.memref_slice %arg11[%add3A_64, %dma_wait3A_82] : memref<10240x128xf32, #tpu.memory_space<vmem_shared>> -> memref<128x128xf32, #tpu.memory_space<vmem_shared>>
      tpu.wait_dma2 semaphore(%run_scoped3A : memref<!tpu.dma_semaphore, #tpu.memory_space<semaphore_mem>>) src(%arg8 : memref<128x128xf32, #tpu.memory_space<vmem>>) dst(%dma_wait3A_83 : memref<128x128xf32, #tpu.memory_space<vmem_shared>>)
      tpu.yield
    }) : () -> ()
    %add3A_65 = arith.constant 512 : i32
    %add3A_66 = arith.addi %mul3A_0, %add3A_65 : i32
    "tpu.region"() ({
      %run_scoped3A = tpu.sem_alloc : memref<!tpu.dma_semaphore, #tpu.memory_space<semaphore_mem>>
      %dma_start3A = arith.constant 0 : i32
      %dma_start3A_78 = tpu.memref_slice %arg11[%add3A_66, %dma_start3A] : memref<10240x128xf32, #tpu.memory_space<vmem_shared>> -> memref<128x128xf32, #tpu.memory_space<vmem_shared>>
      %dma_start3A_79 = arith.constant 0 : i32
      %dma_start3A_80 = tpu.memref_slice %arg11[%add3A_66, %dma_start3A_79] : memref<10240x128xf32, #tpu.memory_space<vmem_shared>> -> memref<128x128xf32, #tpu.memory_space<vmem_shared>>
      tpu.enqueue_dma source(%arg8 : memref<128x128xf32, #tpu.memory_space<vmem>>) target(%dma_start3A_80 : memref<128x128xf32, #tpu.memory_space<vmem_shared>>) target_semaphore(%run_scoped3A : memref<!tpu.dma_semaphore, #tpu.memory_space<semaphore_mem>>)
      %dma_wait3A = arith.constant 0 : i32
      %dma_wait3A_81 = tpu.memref_slice %arg11[%add3A_66, %dma_wait3A] : memref<10240x128xf32, #tpu.memory_space<vmem_shared>> -> memref<128x128xf32, #tpu.memory_space<vmem_shared>>
      %dma_wait3A_82 = arith.constant 0 : i32
      %dma_wait3A_83 = tpu.memref_slice %arg11[%add3A_66, %dma_wait3A_82] : memref<10240x128xf32, #tpu.memory_space<vmem_shared>> -> memref<128x128xf32, #tpu.memory_space<vmem_shared>>
      tpu.wait_dma2 semaphore(%run_scoped3A : memref<!tpu.dma_semaphore, #tpu.memory_space<semaphore_mem>>) src(%arg8 : memref<128x128xf32, #tpu.memory_space<vmem>>) dst(%dma_wait3A_83 : memref<128x128xf32, #tpu.memory_space<vmem_shared>>)
      tpu.yield
    }) : () -> ()
    "tpu.region"() ({
      %run_scoped3A = tpu.sem_alloc : memref<!tpu.dma_semaphore, #tpu.memory_space<semaphore_mem>>
      %dma_start3A = tpu.memref_slice %arg12[%mul3A_0] : memref<10240xf32, #tpu.memory_space<vmem_shared>> -> memref<640xf32, #tpu.memory_space<vmem_shared>>
      %dma_start3A_78 = tpu.memref_slice %arg12[%mul3A_0] : memref<10240xf32, #tpu.memory_space<vmem_shared>> -> memref<640xf32, #tpu.memory_space<vmem_shared>>
      tpu.enqueue_dma source(%arg9 : memref<640xf32, #tpu.memory_space<vmem>>) target(%dma_start3A_78 : memref<640xf32, #tpu.memory_space<vmem_shared>>) target_semaphore(%run_scoped3A : memref<!tpu.dma_semaphore, #tpu.memory_space<semaphore_mem>>)
      %dma_wait3A = tpu.memref_slice %arg12[%mul3A_0] : memref<10240xf32, #tpu.memory_space<vmem_shared>> -> memref<640xf32, #tpu.memory_space<vmem_shared>>
      %dma_wait3A_79 = tpu.memref_slice %arg12[%mul3A_0] : memref<10240xf32, #tpu.memory_space<vmem_shared>> -> memref<640xf32, #tpu.memory_space<vmem_shared>>
      tpu.wait_dma2 semaphore(%run_scoped3A : memref<!tpu.dma_semaphore, #tpu.memory_space<semaphore_mem>>) src(%arg9 : memref<640xf32, #tpu.memory_space<vmem>>) dst(%dma_wait3A_79 : memref<640xf32, #tpu.memory_space<vmem_shared>>)
      tpu.yield
    }) : () -> ()
    %barrier3A = arith.constant 0 : index
    tpu.barrier barrier_id(%barrier3A)
    %mul3A_67 = arith.constant 80 : i32
    %mul3A_68 = arith.muli %arg1, %mul3A_67 : i32
    "tpu.region"() ({
      %run_scoped3A = tpu.sem_alloc : memref<!tpu.dma_semaphore, #tpu.memory_space<semaphore_mem>>
      %dma_start3A = arith.constant 0 : i32
      %dma_start3A_78 = tpu.memref_slice %arg3[%arg0, %mul3A_68, %dma_start3A] : memref<2x1280x128xi32, #tpu.memory_space<hbm>> -> memref<1x80x128xi32, #tpu.memory_space<hbm>>
      %dma_start3A_79 = tpu.memref_squeeze %dma_start3A_78 : memref<1x80x128xi32, #tpu.memory_space<hbm>> -> memref<80x128xi32, #tpu.memory_space<hbm>>
      %dma_start3A_80 = arith.constant 0 : i32
      %dma_start3A_81 = tpu.memref_slice %arg3[%arg0, %mul3A_68, %dma_start3A_80] : memref<2x1280x128xi32, #tpu.memory_space<hbm>> -> memref<1x80x128xi32, #tpu.memory_space<hbm>>
      %dma_start3A_82 = tpu.memref_squeeze %dma_start3A_81 : memref<1x80x128xi32, #tpu.memory_space<hbm>> -> memref<80x128xi32, #tpu.memory_space<hbm>>
      tpu.enqueue_dma source(%dma_start3A_82 : memref<80x128xi32, #tpu.memory_space<hbm>>) target(%arg6 : memref<80x128xi32, #tpu.memory_space<vmem>>) target_semaphore(%run_scoped3A : memref<!tpu.dma_semaphore, #tpu.memory_space<semaphore_mem>>)
      %dma_wait3A = arith.constant 0 : i32
      %dma_wait3A_83 = tpu.memref_slice %arg3[%arg0, %mul3A_68, %dma_wait3A] : memref<2x1280x128xi32, #tpu.memory_space<hbm>> -> memref<1x80x128xi32, #tpu.memory_space<hbm>>
      %dma_wait3A_84 = tpu.memref_squeeze %dma_wait3A_83 : memref<1x80x128xi32, #tpu.memory_space<hbm>> -> memref<80x128xi32, #tpu.memory_space<hbm>>
      %dma_wait3A_85 = arith.constant 0 : i32
      %dma_wait3A_86 = tpu.memref_slice %arg3[%arg0, %mul3A_68, %dma_wait3A_85] : memref<2x1280x128xi32, #tpu.memory_space<hbm>> -> memref<1x80x128xi32, #tpu.memory_space<hbm>>
      %dma_wait3A_87 = tpu.memref_squeeze %dma_wait3A_86 : memref<1x80x128xi32, #tpu.memory_space<hbm>> -> memref<80x128xi32, #tpu.memory_space<hbm>>
      tpu.wait_dma2 semaphore(%run_scoped3A : memref<!tpu.dma_semaphore, #tpu.memory_space<semaphore_mem>>) src(%dma_wait3A_87 : memref<80x128xi32, #tpu.memory_space<hbm>>) dst(%arg6 : memref<80x128xi32, #tpu.memory_space<vmem>>)
      tpu.yield
    }) : () -> ()
    %mul3A_69 = arith.constant 80 : i32
    %mul3A_70 = arith.muli %arg1, %mul3A_69 : i32
    "tpu.region"() ({
      %run_scoped3A = tpu.sem_alloc : memref<!tpu.dma_semaphore, #tpu.memory_space<semaphore_mem>>
      %dma_start3A = arith.constant 0 : i32
      %dma_start3A_78 = tpu.memref_slice %arg4[%mul3A_70, %dma_start3A] : memref<1280x128xi32, #tpu.memory_space<hbm>> -> memref<80x128xi32, #tpu.memory_space<hbm>>
      %dma_start3A_79 = arith.constant 0 : i32
      %dma_start3A_80 = tpu.memref_slice %arg4[%mul3A_70, %dma_start3A_79] : memref<1280x128xi32, #tpu.memory_space<hbm>> -> memref<80x128xi32, #tpu.memory_space<hbm>>
      tpu.enqueue_dma source(%dma_start3A_80 : memref<80x128xi32, #tpu.memory_space<hbm>>) target(%arg7 : memref<80x128xi32, #tpu.memory_space<vmem>>) target_semaphore(%run_scoped3A : memref<!tpu.dma_semaphore, #tpu.memory_space<semaphore_mem>>)
      %dma_wait3A = arith.constant 0 : i32
      %dma_wait3A_81 = tpu.memref_slice %arg4[%mul3A_70, %dma_wait3A] : memref<1280x128xi32, #tpu.memory_space<hbm>> -> memref<80x128xi32, #tpu.memory_space<hbm>>
      %dma_wait3A_82 = arith.constant 0 : i32
      %dma_wait3A_83 = tpu.memref_slice %arg4[%mul3A_70, %dma_wait3A_82] : memref<1280x128xi32, #tpu.memory_space<hbm>> -> memref<80x128xi32, #tpu.memory_space<hbm>>
      tpu.wait_dma2 semaphore(%run_scoped3A : memref<!tpu.dma_semaphore, #tpu.memory_space<semaphore_mem>>) src(%dma_wait3A_83 : memref<80x128xi32, #tpu.memory_space<hbm>>) dst(%arg7 : memref<80x128xi32, #tpu.memory_space<vmem>>)
      tpu.yield
    }) : () -> ()
    %scan3A_71 = arith.constant 0 : i32
    %scan3A_72 = arith.constant 0 : i32
    %scan3A_73 = arith.constant 80 : i32
    %scan3A_74 = arith.addi %scan3A_72, %scan3A_73 : i32
    %scan3A_75 = arith.constant 1 : i32
    scf.for %scan3A_78 = %scan3A_72 to %scan3A_74 step %scan3A_75  : i32 {
      %dma_start3A = arith.constant 0 : i32
      %dma_start3A_79 = tpu.memref_slice %arg6[%scan3A_78, %dma_start3A] : memref<80x128xi32, #tpu.memory_space<vmem>> -> memref<1x128xi32, #tpu.memory_space<vmem>>
      %dma_start3A_80 = tpu.memref_squeeze %dma_start3A_79 : memref<1x128xi32, #tpu.memory_space<vmem>> -> memref<128xi32, #tpu.memory_space<vmem>>
      %dma_start3A_81 = arith.constant 0 : i32
      %dma_start3A_82 = arith.constant 0 : i32
      %dma_start3A_83 = tpu.memref_slice %arg2[%dma_start3A_81, %dma_start3A_82] : memref<20480x128xf32, #tpu.memory_space<hbm>> -> memref<20480x128xf32, #tpu.memory_space<hbm>>
      tpu.enqueue_indirect_dma source(%dma_start3A_83 : memref<20480x128xf32, #tpu.memory_space<hbm>>) target(%arg8 : memref<128x128xf32, #tpu.memory_space<vmem>>) offsets(%dma_start3A_80 : memref<128xi32, #tpu.memory_space<vmem>>) semaphore(%arg13 : memref<!tpu.dma_semaphore, #tpu.memory_space<semaphore_mem>>)
      %dma_wait3A = arith.constant 0 : i32
      %dma_wait3A_84 = tpu.memref_slice %arg6[%scan3A_78, %dma_wait3A] : memref<80x128xi32, #tpu.memory_space<vmem>> -> memref<1x128xi32, #tpu.memory_space<vmem>>
      %dma_wait3A_85 = tpu.memref_squeeze %dma_wait3A_84 : memref<1x128xi32, #tpu.memory_space<vmem>> -> memref<128xi32, #tpu.memory_space<vmem>>
      %dma_wait3A_86 = arith.constant 0 : i32
      %dma_wait3A_87 = arith.constant 0 : i32
      %dma_wait3A_88 = tpu.memref_slice %arg2[%dma_wait3A_86, %dma_wait3A_87] : memref<20480x128xf32, #tpu.memory_space<hbm>> -> memref<20480x128xf32, #tpu.memory_space<hbm>>
      tpu.wait_indirect_dma semaphore(%arg13 : memref<!tpu.dma_semaphore, #tpu.memory_space<semaphore_mem>>) src(%dma_wait3A_88 : memref<20480x128xf32, #tpu.memory_space<hbm>>) dst(%arg8 : memref<128x128xf32, #tpu.memory_space<vmem>>)
      "tpu.region"() ({
        %run_scoped3A = tpu.sem_alloc : memref<!tpu.dma_semaphore, #tpu.memory_space<semaphore_mem>>
        %dma_start3A_89 = arith.constant 0 : i32
        %dma_start3A_90 = tpu.memref_slice %arg7[%scan3A_78, %dma_start3A_89] : memref<80x128xi32, #tpu.memory_space<vmem>> -> memref<1x128xi32, #tpu.memory_space<vmem>>
        %dma_start3A_91 = tpu.memref_squeeze %dma_start3A_90 : memref<1x128xi32, #tpu.memory_space<vmem>> -> memref<128xi32, #tpu.memory_space<vmem>>
        %dma_start3A_92 = arith.constant 0 : i32
        %dma_start3A_93 = arith.constant 0 : i32
        %dma_start3A_94 = tpu.memref_slice %arg11[%dma_start3A_92, %dma_start3A_93] : memref<10240x128xf32, #tpu.memory_space<vmem_shared>> -> memref<10240x128xf32, #tpu.memory_space<vmem_shared>>
        tpu.enqueue_indirect_dma source(%arg8 : memref<128x128xf32, #tpu.memory_space<vmem>>) target(%dma_start3A_94 : memref<10240x128xf32, #tpu.memory_space<vmem_shared>>) offsets(%dma_start3A_91 : memref<128xi32, #tpu.memory_space<vmem>>) semaphore(%run_scoped3A : memref<!tpu.dma_semaphore, #tpu.memory_space<semaphore_mem>>) {add = true}
        %dma_wait3A_95 = arith.constant 0 : i32
        %dma_wait3A_96 = tpu.memref_slice %arg7[%scan3A_78, %dma_wait3A_95] : memref<80x128xi32, #tpu.memory_space<vmem>> -> memref<1x128xi32, #tpu.memory_space<vmem>>
        %dma_wait3A_97 = tpu.memref_squeeze %dma_wait3A_96 : memref<1x128xi32, #tpu.memory_space<vmem>> -> memref<128xi32, #tpu.memory_space<vmem>>
        %dma_wait3A_98 = arith.constant 0 : i32
        %dma_wait3A_99 = arith.constant 0 : i32
        %dma_wait3A_100 = tpu.memref_slice %arg11[%dma_wait3A_98, %dma_wait3A_99] : memref<10240x128xf32, #tpu.memory_space<vmem_shared>> -> memref<10240x128xf32, #tpu.memory_space<vmem_shared>>
        tpu.wait_indirect_dma semaphore(%run_scoped3A : memref<!tpu.dma_semaphore, #tpu.memory_space<semaphore_mem>>) src(%arg8 : memref<128x128xf32, #tpu.memory_space<vmem>>) dst(%dma_wait3A_100 : memref<10240x128xf32, #tpu.memory_space<vmem_shared>>)
        tpu.yield
      }) : () -> ()
    }
    %scan3A_76 = arith.constant 80 : i32
    %barrier3A_77 = arith.constant 0 : index
    tpu.barrier barrier_id(%barrier3A_77)
    "tpu.region"() ({
      %run_scoped3A = tpu.sem_alloc : memref<!tpu.dma_semaphore, #tpu.memory_space<semaphore_mem>>
      %dma_start3A = arith.constant 0 : i32
      %dma_start3A_78 = tpu.memref_slice %arg5[%arg0, %mul3A_0, %dma_start3A] : memref<2x10240x128xf32, #tpu.memory_space<hbm>> -> memref<1x640x128xf32, #tpu.memory_space<hbm>>
      %dma_start3A_79 = tpu.memref_squeeze %dma_start3A_78 : memref<1x640x128xf32, #tpu.memory_space<hbm>> -> memref<640x128xf32, #tpu.memory_space<hbm>>
      %dma_start3A_80 = arith.constant 0 : i32
      %dma_start3A_81 = tpu.memref_slice %arg11[%mul3A_0, %dma_start3A_80] : memref<10240x128xf32, #tpu.memory_space<vmem_shared>> -> memref<640x128xf32, #tpu.memory_space<vmem_shared>>
      tpu.enqueue_dma source(%dma_start3A_81 : memref<640x128xf32, #tpu.memory_space<vmem_shared>>) target(%dma_start3A_79 : memref<640x128xf32, #tpu.memory_space<hbm>>) target_semaphore(%run_scoped3A : memref<!tpu.dma_semaphore, #tpu.memory_space<semaphore_mem>>)
      %dma_wait3A = arith.constant 0 : i32
      %dma_wait3A_82 = tpu.memref_slice %arg5[%arg0, %mul3A_0, %dma_wait3A] : memref<2x10240x128xf32, #tpu.memory_space<hbm>> -> memref<1x640x128xf32, #tpu.memory_space<hbm>>
      %dma_wait3A_83 = tpu.memref_squeeze %dma_wait3A_82 : memref<1x640x128xf32, #tpu.memory_space<hbm>> -> memref<640x128xf32, #tpu.memory_space<hbm>>
      %dma_wait3A_84 = arith.constant 0 : i32
      %dma_wait3A_85 = tpu.memref_slice %arg11[%mul3A_0, %dma_wait3A_84] : memref<10240x128xf32, #tpu.memory_space<vmem_shared>> -> memref<640x128xf32, #tpu.memory_space<vmem_shared>>
      tpu.wait_dma2 semaphore(%run_scoped3A : memref<!tpu.dma_semaphore, #tpu.memory_space<semaphore_mem>>) src(%dma_wait3A_85 : memref<640x128xf32, #tpu.memory_space<vmem_shared>>) dst(%dma_wait3A_83 : memref<640x128xf32, #tpu.memory_space<hbm>>)
      tpu.yield
    }) : () -> ()
    return
  }
}

module attributes {stable_mosaic.version = 14 : i64} {
  func.func @_tc_body(%arg0: i32, %arg1: i32, %arg2: memref<2x1024x128xf32, #tpu.memory_space<vmem>>, %arg3: memref<2x1024x128xf32, #tpu.memory_space<vmem>>, %arg4: memref<1024x1xf32, #tpu.memory_space<vmem>>, %arg5: memref<256x128xf32, #tpu.memory_space<vmem>>, %arg6: memref<256x128xf32, #tpu.memory_space<vmem>>, %arg7: memref<1x1x128xf32, #tpu.memory_space<vmem>>, %arg8: memref<1x1024x128xf32, #tpu.memory_space<vmem>>) attributes {dimension_semantics = [#tpu.dimension_semantics<arbitrary>, #tpu.dimension_semantics<arbitrary>], iteration_bounds = array<i64: 10, 2>, scalar_prefetch = 0 : i64, scratch_operands = 0 : i64, tpu.core_type = #tpu.core_type<tc>, window_params = [{transform_indices = @transform_0, window_bounds = array<i64: 2, 1024, 128>}, {transform_indices = @transform_1, window_bounds = array<i64: 2, 1024, 128>}, {transform_indices = @transform_2, window_bounds = array<i64: 1024, 1>}, {transform_indices = @transform_3, window_bounds = array<i64: 256, 128>}, {transform_indices = @transform_4, window_bounds = array<i64: 256, 128>}, {transform_indices = @transform_5, window_bounds = array<i64: 1, 1, 128>}, {transform_indices = @transform_6, window_bounds = array<i64: 1, 1024, 128>}]} {
    %get3A = arith.constant 0 : index
    %get3A_0 = arith.constant 0 : index
    %get3A_1 = arith.constant 0 : index
    %get3A_2 = vector.load %arg2[%get3A, %get3A_0, %get3A_1] : memref<2x1024x128xf32, #tpu.memory_space<vmem>>, vector<2x1024x128xf32>
    %get3A_3 = arith.constant 0 : index
    %get3A_4 = arith.constant 0 : index
    %get3A_5 = arith.constant 0 : index
    %get3A_6 = vector.load %arg3[%get3A_3, %get3A_4, %get3A_5] : memref<2x1024x128xf32, #tpu.memory_space<vmem>>, vector<2x1024x128xf32>
    %get3A_7 = arith.constant 0 : index
    %get3A_8 = arith.constant 0 : index
    %get3A_9 = vector.load %arg5[%get3A_7, %get3A_8] : memref<256x128xf32, #tpu.memory_space<vmem>>, vector<256x128xf32>
    %get3A_10 = arith.constant 0 : index
    %get3A_11 = arith.constant 0 : index
    %get3A_12 = vector.load %arg6[%get3A_10, %get3A_11] : memref<256x128xf32, #tpu.memory_space<vmem>>, vector<256x128xf32>
    %slice3A = vector.extract_strided_slice %get3A_2 {offsets = [0, 0, 0], sizes = [1, 1024, 128], strides = [1, 1, 1]} : vector<2x1024x128xf32> to vector<1x1024x128xf32>
    %squeeze3A = vector.shape_cast %slice3A : vector<1x1024x128xf32> to vector<1024x128xf32>
    %slice3A_13 = vector.extract_strided_slice %get3A_9 {offsets = [0, 0], sizes = [128, 128], strides = [1, 1]} : vector<256x128xf32> to vector<128x128xf32>
    %dot_general3A = arith.constant dense<0.000000e+00> : vector<1024x128xf32>
    %dot_general3A_14 = tpu.matmul %squeeze3A, %slice3A_13, %dot_general3A {dimension_numbers = #tpu.dot_dimension_numbers<[1], [0], [0], [1], [0, 0, 1, 1], [], []>, transpose_lhs_hint = false} : vector<1024x128xf32>, vector<128x128xf32>, vector<1024x128xf32> -> vector<1024x128xf32>
    %slice3A_15 = vector.extract_strided_slice %get3A_2 {offsets = [1, 0, 0], sizes = [1, 1024, 128], strides = [1, 1, 1]} : vector<2x1024x128xf32> to vector<1x1024x128xf32>
    %squeeze3A_16 = vector.shape_cast %slice3A_15 : vector<1x1024x128xf32> to vector<1024x128xf32>
    %slice3A_17 = vector.extract_strided_slice %get3A_9 {offsets = [128, 0], sizes = [128, 128], strides = [1, 1]} : vector<256x128xf32> to vector<128x128xf32>
    %dot_general3A_18 = arith.constant dense<0.000000e+00> : vector<1024x128xf32>
    %dot_general3A_19 = tpu.matmul %squeeze3A_16, %slice3A_17, %dot_general3A_18 {dimension_numbers = #tpu.dot_dimension_numbers<[1], [0], [0], [1], [0, 0, 1, 1], [], []>, transpose_lhs_hint = false} : vector<1024x128xf32>, vector<128x128xf32>, vector<1024x128xf32> -> vector<1024x128xf32>
    %add3A = arith.addf %dot_general3A_14, %dot_general3A_19 : vector<1024x128xf32>
    %get3A_20 = arith.constant 0 : index
    %get3A_21 = arith.constant 0 : index
    %get3A_22 = vector.load %arg4[%get3A_20, %get3A_21] : memref<1024x1xf32, #tpu.memory_space<vmem>>, vector<1024x1xf32>
    %max3A = arith.constant 1.000000e+00 : f32
    %max3A_23 = vector.broadcast %max3A : f32 to vector<1024x1xf32>
    %max3A_24 = arith.maximumf %get3A_22, %max3A_23 : vector<1024x1xf32>
    %div3A = arith.constant 1.000000e+00 : f32
    %div3A_25 = vector.broadcast %div3A : f32 to vector<1024x1xf32>
    %div3A_26 = arith.divf %div3A_25, %max3A_24 : vector<1024x1xf32>
    %mul3A = vector.broadcast %div3A_26 : vector<1024x1xf32> to vector<1024x128xf32>
    %mul3A_27 = arith.mulf %add3A, %mul3A : vector<1024x128xf32>
    %slice3A_28 = vector.extract_strided_slice %get3A_6 {offsets = [0, 0, 0], sizes = [1, 1024, 128], strides = [1, 1, 1]} : vector<2x1024x128xf32> to vector<1x1024x128xf32>
    %squeeze3A_29 = vector.shape_cast %slice3A_28 : vector<1x1024x128xf32> to vector<1024x128xf32>
    %slice3A_30 = vector.extract_strided_slice %get3A_12 {offsets = [0, 0], sizes = [128, 128], strides = [1, 1]} : vector<256x128xf32> to vector<128x128xf32>
    %dot_general3A_31 = arith.constant dense<0.000000e+00> : vector<1024x128xf32>
    %dot_general3A_32 = tpu.matmul %squeeze3A_29, %slice3A_30, %dot_general3A_31 {dimension_numbers = #tpu.dot_dimension_numbers<[1], [0], [0], [1], [0, 0, 1, 1], [], []>, transpose_lhs_hint = false} : vector<1024x128xf32>, vector<128x128xf32>, vector<1024x128xf32> -> vector<1024x128xf32>
    %add3A_33 = arith.addf %mul3A_27, %dot_general3A_32 : vector<1024x128xf32>
    %slice3A_34 = vector.extract_strided_slice %get3A_6 {offsets = [1, 0, 0], sizes = [1, 1024, 128], strides = [1, 1, 1]} : vector<2x1024x128xf32> to vector<1x1024x128xf32>
    %squeeze3A_35 = vector.shape_cast %slice3A_34 : vector<1x1024x128xf32> to vector<1024x128xf32>
    %slice3A_36 = vector.extract_strided_slice %get3A_12 {offsets = [128, 0], sizes = [128, 128], strides = [1, 1]} : vector<256x128xf32> to vector<128x128xf32>
    %dot_general3A_37 = arith.constant dense<0.000000e+00> : vector<1024x128xf32>
    %dot_general3A_38 = tpu.matmul %squeeze3A_35, %slice3A_36, %dot_general3A_37 {dimension_numbers = #tpu.dot_dimension_numbers<[1], [0], [0], [1], [0, 0, 1, 1], [], []>, transpose_lhs_hint = false} : vector<1024x128xf32>, vector<128x128xf32>, vector<1024x128xf32> -> vector<1024x128xf32>
    %add3A_39 = arith.addf %add3A_33, %dot_general3A_38 : vector<1024x128xf32>
    %get3A_40 = arith.constant 0 : index
    %get3A_41 = arith.constant 0 : index
    %get3A_42 = arith.constant 0 : index
    %get3A_43 = vector.load %arg7[%get3A_40, %get3A_41, %get3A_42] : memref<1x1x128xf32, #tpu.memory_space<vmem>>, vector<1x1x128xf32>
    %squeeze3A_44 = vector.shape_cast %get3A_43 : vector<1x1x128xf32> to vector<1x128xf32>
    %add3A_45 = vector.broadcast %squeeze3A_44 : vector<1x128xf32> to vector<1024x128xf32>
    %add3A_46 = arith.addf %add3A_39, %add3A_45 : vector<1024x128xf32>
    %max3A_47 = arith.constant 0.000000e+00 : f32
    %max3A_48 = vector.broadcast %max3A_47 : f32 to vector<1024x128xf32>
    %max3A_49 = arith.maximumf %add3A_46, %max3A_48 : vector<1024x128xf32>
    %broadcast_in_dim3A = vector.shape_cast %max3A_49 : vector<1024x128xf32> to vector<1x1024x128xf32>
    %swap3A = arith.constant 0 : index
    %swap3A_50 = arith.constant 0 : index
    %swap3A_51 = arith.constant 0 : index
    %swap3A_52 = vector.load %arg8[%swap3A, %swap3A_50, %swap3A_51] : memref<1x1024x128xf32, #tpu.memory_space<vmem>>, vector<1x1024x128xf32>
    tpu.vector_store %arg8[%swap3A, %swap3A_50, %swap3A_51], %broadcast_in_dim3A {strides = array<i32>} : memref<1x1024x128xf32, #tpu.memory_space<vmem>>, vector<1x1024x128xf32>,
    return
  }
  func.func @transform_0(%arg0: i32, %arg1: i32) -> (i32, i32, i32) {
    %c0_i32 = arith.constant 0 : i32
    %c0_i32_0 = arith.constant 0 : i32
    %c0_i32_1 = arith.constant 0 : i32
    return %c0_i32, %arg0, %c0_i32_0 : i32, i32, i32
  }
  func.func @transform_1(%arg0: i32, %arg1: i32) -> (i32, i32, i32) {
    %c0_i32 = arith.constant 0 : i32
    %c0_i32_0 = arith.constant 0 : i32
    %c0_i32_1 = arith.constant 0 : i32
    return %c0_i32, %arg0, %c0_i32_0 : i32, i32, i32
  }
  func.func @transform_2(%arg0: i32, %arg1: i32) -> (i32, i32) {
    %c0_i32 = arith.constant 0 : i32
    %c0_i32_0 = arith.constant 0 : i32
    return %arg0, %c0_i32 : i32, i32
  }
  func.func @transform_3(%arg0: i32, %arg1: i32) -> (i32, i32) {
    %c0_i32 = arith.constant 0 : i32
    %c0_i32_0 = arith.constant 0 : i32
    return %c0_i32, %arg1 : i32, i32
  }
  func.func @transform_4(%arg0: i32, %arg1: i32) -> (i32, i32) {
    %c0_i32 = arith.constant 0 : i32
    %c0_i32_0 = arith.constant 0 : i32
    return %c0_i32, %arg1 : i32, i32
  }
  func.func @transform_5(%arg0: i32, %arg1: i32) -> (i32, i32, i32) {
    %c0_i32 = arith.constant 0 : i32
    %c0_i32_0 = arith.constant 0 : i32
    %c0_i32_1 = arith.constant 0 : i32
    return %arg1, %c0_i32, %c0_i32_0 : i32, i32, i32
  }
  func.func @transform_6(%arg0: i32, %arg1: i32) -> (i32, i32, i32) {
    %c0_i32 = arith.constant 0 : i32
    %c0_i32_0 = arith.constant 0 : i32
    return %arg1, %arg0, %c0_i32 : i32, i32, i32
  }
}

module attributes {stable_mosaic.version = 14 : i64} {
  func.func @_tc_body(%arg0: i32, %arg1: i32, %arg2: memref<2x1024x128xf32, #tpu.memory_space<vmem>>, %arg3: memref<2x1024x128xf32, #tpu.memory_space<vmem>>, %arg4: memref<1024x1xf32, #tpu.memory_space<vmem>>, %arg5: memref<256x128xf32, #tpu.memory_space<vmem>>, %arg6: memref<256x128xf32, #tpu.memory_space<vmem>>, %arg7: memref<1x1x128xf32, #tpu.memory_space<vmem>>, %arg8: memref<1024x128xf32, #tpu.memory_space<vmem>>) attributes {dimension_semantics = [#tpu.dimension_semantics<arbitrary>, #tpu.dimension_semantics<arbitrary>], iteration_bounds = array<i64: 10, 2>, scalar_prefetch = 0 : i64, scratch_operands = 0 : i64, tpu.core_type = #tpu.core_type<tc>, window_params = [{transform_indices = @transform_0, window_bounds = array<i64: 2, 1024, 128>}, {transform_indices = @transform_1, window_bounds = array<i64: 2, 1024, 128>}, {transform_indices = @transform_2, window_bounds = array<i64: 1024, 1>}, {transform_indices = @transform_3, window_bounds = array<i64: 256, 128>}, {transform_indices = @transform_4, window_bounds = array<i64: 256, 128>}, {transform_indices = @transform_5, window_bounds = array<i64: 1, 1, 128>}, {transform_indices = @transform_6, window_bounds = array<i64: 1024, 128>}]} {
    %get3A = arith.constant 0 : index
    %get3A_0 = arith.constant 0 : index
    %get3A_1 = arith.constant 0 : index
    %get3A_2 = vector.load %arg2[%get3A, %get3A_0, %get3A_1] : memref<2x1024x128xf32, #tpu.memory_space<vmem>>, vector<2x1024x128xf32>
    %get3A_3 = arith.constant 0 : index
    %get3A_4 = arith.constant 0 : index
    %get3A_5 = arith.constant 0 : index
    %get3A_6 = vector.load %arg3[%get3A_3, %get3A_4, %get3A_5] : memref<2x1024x128xf32, #tpu.memory_space<vmem>>, vector<2x1024x128xf32>
    %get3A_7 = arith.constant 0 : index
    %get3A_8 = arith.constant 0 : index
    %get3A_9 = vector.load %arg5[%get3A_7, %get3A_8] : memref<256x128xf32, #tpu.memory_space<vmem>>, vector<256x128xf32>
    %get3A_10 = arith.constant 0 : index
    %get3A_11 = arith.constant 0 : index
    %get3A_12 = vector.load %arg6[%get3A_10, %get3A_11] : memref<256x128xf32, #tpu.memory_space<vmem>>, vector<256x128xf32>
    %slice3A = vector.extract_strided_slice %get3A_2 {offsets = [0, 0, 0], sizes = [1, 1024, 128], strides = [1, 1, 1]} : vector<2x1024x128xf32> to vector<1x1024x128xf32>
    %squeeze3A = vector.shape_cast %slice3A : vector<1x1024x128xf32> to vector<1024x128xf32>
    %slice3A_13 = vector.extract_strided_slice %get3A_9 {offsets = [0, 0], sizes = [128, 128], strides = [1, 1]} : vector<256x128xf32> to vector<128x128xf32>
    %dot_general3A = arith.constant dense<0.000000e+00> : vector<1024x128xf32>
    %dot_general3A_14 = tpu.matmul %squeeze3A, %slice3A_13, %dot_general3A {dimension_numbers = #tpu.dot_dimension_numbers<[1], [0], [0], [1], [0, 0, 1, 1], [], []>, transpose_lhs_hint = false} : vector<1024x128xf32>, vector<128x128xf32>, vector<1024x128xf32> -> vector<1024x128xf32>
    %slice3A_15 = vector.extract_strided_slice %get3A_2 {offsets = [1, 0, 0], sizes = [1, 1024, 128], strides = [1, 1, 1]} : vector<2x1024x128xf32> to vector<1x1024x128xf32>
    %squeeze3A_16 = vector.shape_cast %slice3A_15 : vector<1x1024x128xf32> to vector<1024x128xf32>
    %slice3A_17 = vector.extract_strided_slice %get3A_9 {offsets = [128, 0], sizes = [128, 128], strides = [1, 1]} : vector<256x128xf32> to vector<128x128xf32>
    %dot_general3A_18 = arith.constant dense<0.000000e+00> : vector<1024x128xf32>
    %dot_general3A_19 = tpu.matmul %squeeze3A_16, %slice3A_17, %dot_general3A_18 {dimension_numbers = #tpu.dot_dimension_numbers<[1], [0], [0], [1], [0, 0, 1, 1], [], []>, transpose_lhs_hint = false} : vector<1024x128xf32>, vector<128x128xf32>, vector<1024x128xf32> -> vector<1024x128xf32>
    %add3A = arith.addf %dot_general3A_14, %dot_general3A_19 : vector<1024x128xf32>
    %get3A_20 = arith.constant 0 : index
    %get3A_21 = arith.constant 0 : index
    %get3A_22 = vector.load %arg4[%get3A_20, %get3A_21] : memref<1024x1xf32, #tpu.memory_space<vmem>>, vector<1024x1xf32>
    %max3A = arith.constant 1.000000e+00 : f32
    %max3A_23 = vector.broadcast %max3A : f32 to vector<1024x1xf32>
    %max3A_24 = arith.maximumf %get3A_22, %max3A_23 : vector<1024x1xf32>
    %div3A = arith.constant 1.000000e+00 : f32
    %div3A_25 = vector.broadcast %div3A : f32 to vector<1024x1xf32>
    %div3A_26 = arith.divf %div3A_25, %max3A_24 : vector<1024x1xf32>
    %mul3A = vector.broadcast %div3A_26 : vector<1024x1xf32> to vector<1024x128xf32>
    %mul3A_27 = arith.mulf %add3A, %mul3A : vector<1024x128xf32>
    %slice3A_28 = vector.extract_strided_slice %get3A_6 {offsets = [0, 0, 0], sizes = [1, 1024, 128], strides = [1, 1, 1]} : vector<2x1024x128xf32> to vector<1x1024x128xf32>
    %squeeze3A_29 = vector.shape_cast %slice3A_28 : vector<1x1024x128xf32> to vector<1024x128xf32>
    %slice3A_30 = vector.extract_strided_slice %get3A_12 {offsets = [0, 0], sizes = [128, 128], strides = [1, 1]} : vector<256x128xf32> to vector<128x128xf32>
    %dot_general3A_31 = arith.constant dense<0.000000e+00> : vector<1024x128xf32>
    %dot_general3A_32 = tpu.matmul %squeeze3A_29, %slice3A_30, %dot_general3A_31 {dimension_numbers = #tpu.dot_dimension_numbers<[1], [0], [0], [1], [0, 0, 1, 1], [], []>, transpose_lhs_hint = false} : vector<1024x128xf32>, vector<128x128xf32>, vector<1024x128xf32> -> vector<1024x128xf32>
    %add3A_33 = arith.addf %mul3A_27, %dot_general3A_32 : vector<1024x128xf32>
    %slice3A_34 = vector.extract_strided_slice %get3A_6 {offsets = [1, 0, 0], sizes = [1, 1024, 128], strides = [1, 1, 1]} : vector<2x1024x128xf32> to vector<1x1024x128xf32>
    %squeeze3A_35 = vector.shape_cast %slice3A_34 : vector<1x1024x128xf32> to vector<1024x128xf32>
    %slice3A_36 = vector.extract_strided_slice %get3A_12 {offsets = [128, 0], sizes = [128, 128], strides = [1, 1]} : vector<256x128xf32> to vector<128x128xf32>
    %dot_general3A_37 = arith.constant dense<0.000000e+00> : vector<1024x128xf32>
    %dot_general3A_38 = tpu.matmul %squeeze3A_35, %slice3A_36, %dot_general3A_37 {dimension_numbers = #tpu.dot_dimension_numbers<[1], [0], [0], [1], [0, 0, 1, 1], [], []>, transpose_lhs_hint = false} : vector<1024x128xf32>, vector<128x128xf32>, vector<1024x128xf32> -> vector<1024x128xf32>
    %add3A_39 = arith.addf %add3A_33, %dot_general3A_38 : vector<1024x128xf32>
    %get3A_40 = arith.constant 0 : index
    %get3A_41 = arith.constant 0 : index
    %get3A_42 = arith.constant 0 : index
    %get3A_43 = vector.load %arg7[%get3A_40, %get3A_41, %get3A_42] : memref<1x1x128xf32, #tpu.memory_space<vmem>>, vector<1x1x128xf32>
    %squeeze3A_44 = vector.shape_cast %get3A_43 : vector<1x1x128xf32> to vector<1x128xf32>
    %add3A_45 = vector.broadcast %squeeze3A_44 : vector<1x128xf32> to vector<1024x128xf32>
    %add3A_46 = arith.addf %add3A_39, %add3A_45 : vector<1024x128xf32>
    %max3A_47 = arith.constant 0.000000e+00 : f32
    %max3A_48 = vector.broadcast %max3A_47 : f32 to vector<1024x128xf32>
    %max3A_49 = arith.maximumf %add3A_46, %max3A_48 : vector<1024x128xf32>
    %swap3A = arith.constant 0 : index
    %swap3A_50 = arith.constant 0 : index
    %swap3A_51 = vector.load %arg8[%swap3A, %swap3A_50] : memref<1024x128xf32, #tpu.memory_space<vmem>>, vector<1024x128xf32>
    tpu.vector_store %arg8[%swap3A, %swap3A_50], %max3A_49 {strides = array<i32>} : memref<1024x128xf32, #tpu.memory_space<vmem>>, vector<1024x128xf32>,
    return
  }
  func.func @transform_0(%arg0: i32, %arg1: i32) -> (i32, i32, i32) {
    %c0_i32 = arith.constant 0 : i32
    %c0_i32_0 = arith.constant 0 : i32
    %c0_i32_1 = arith.constant 0 : i32
    return %c0_i32, %arg0, %c0_i32_0 : i32, i32, i32
  }
  func.func @transform_1(%arg0: i32, %arg1: i32) -> (i32, i32, i32) {
    %c0_i32 = arith.constant 0 : i32
    %c0_i32_0 = arith.constant 0 : i32
    %c0_i32_1 = arith.constant 0 : i32
    return %c0_i32, %arg0, %c0_i32_0 : i32, i32, i32
  }
  func.func @transform_2(%arg0: i32, %arg1: i32) -> (i32, i32) {
    %c0_i32 = arith.constant 0 : i32
    %c0_i32_0 = arith.constant 0 : i32
    return %arg0, %c0_i32 : i32, i32
  }
  func.func @transform_3(%arg0: i32, %arg1: i32) -> (i32, i32) {
    %c0_i32 = arith.constant 0 : i32
    %c0_i32_0 = arith.constant 0 : i32
    return %c0_i32, %arg1 : i32, i32
  }
  func.func @transform_4(%arg0: i32, %arg1: i32) -> (i32, i32) {
    %c0_i32 = arith.constant 0 : i32
    %c0_i32_0 = arith.constant 0 : i32
    return %c0_i32, %arg1 : i32, i32
  }
  func.func @transform_5(%arg0: i32, %arg1: i32) -> (i32, i32, i32) {
    %c0_i32 = arith.constant 0 : i32
    %c0_i32_0 = arith.constant 0 : i32
    %c0_i32_1 = arith.constant 0 : i32
    return %arg1, %c0_i32, %c0_i32_0 : i32, i32, i32
  }
  func.func @transform_6(%arg0: i32, %arg1: i32) -> (i32, i32) {
    %c0_i32 = arith.constant 0 : i32
    return %arg0, %arg1 : i32, i32
  }
}

</mosaic_0001>

<sc_bundles>
// kernel: kernel.11.cloned.1.call-start
scs
__scs_entry_jumppad:
0x0: {  	(pc) =	sbr.rel $0x88, $3  }
0x1: {  	(tag) =	ssettag $0x0;
	lr =	simm.s32 $0x1  }
0x2: {  	[smem:$0x3F96] =	sst lr;
	_ =	strace $0xD0000000  }
0x3: {  	_ = 	snop  }
0x4: {  	_ = 	snop  }
0x5: {  	_ = 	snop  }
0x6: {  	_ = 	snop  }
0x7: {  	_ = 	snop  }
__scs_overlays_trampoline_lowered:
0x8: {  	[smem:$0x3FA5] =	sst s0  }
0x9: {  	[smem:$0x3FA6] =	sst s1  }
0xa: {  	[smem:$0x3FA7] =	sst s2  }
0xb: {  	[smem:$0x3FA8] =	sst s3  }
0xc: {  	[smem:$0x3FA9] =	sst s4  }
0xd: {  	[smem:$0x3FAA] =	sst s5  }
0xe: {  	[smem:$0x3FAB] =	sst s6  }
0xf: {  	[smem:$0x3FAC] =	sst s7  }
0x10: {  	[smem:$0x3FAD] =	sst s8  }
0x11: {  	[smem:$0x3FAE] =	sst s9;
	s0 =	simm.s32 @!p0 $0x0  }
0x12: {  	s1 =	sld [smem:$0x3F94];
	s0 =	simm.s32 @p0 $0x1  }
0x13: {  	[smem:$0x3FAF] =	sst s0;
	s0 =	simm.s32 @!p1 $0x0  }
0x14: {  	s2 =	sld [smem:$0x3F93];
	s0 =	simm.s32 @p1 $0x1  }
0x15: {  	[smem:$0x3FB0] =	sst s0;
	s0 =	simm.s32 @!p2 $0x0  }
0x16: {  	s3 =	sld [smem:$0x3FDB];
	s0 =	simm.s32 @p2 $0x1  }
0x17: {  	s4 =	simm.s32 $0x1BF5;
	[smem:$0x3FB2] =	sst s0  }
0x18: {  	s0 =	sld [smem:$0x3F95];
	_ =	swait.ge [sflag:s4], $0x0  }
0x19: {  	s7 =	sld [smem:$0x3F96]  }
0x1a: {  	s8 =	sadd.s32 $0xFFFFE003, lr  }
0x1b: {  	s9 =	sadd.s32 $0xFFFFFEF7, lr;
	s5 =	simm.s32 $0xFFFFFFFF;
	p2 =	slt.u32 s8, $0xFFFFF086  }
0x1c: {  	p1 =	slt.u32 s9, $0xF7A;
	s5 =	simm.s32 @!p2 $0x0  }
0x1d: {  	s5 =	simm.s32 @p1 $0x1;
	p0 =	seq.s32 s7, s2  }
0x1e: {  	s7 =	smul.u32 @!p0 $0xF7A, s2;
	p2 =	seq.s32 @!p0 s5, $0x0  }
0x1f: {  	s9 =	smul.u32 $0xF7A, s1;
	s8 =	simm.s32 @!p0 $0x1BF5;
	p2 =	por !p2, p0  }
0x20: {  	[sflag:s8] =	ssyncset.s32 @!p0 $0xFFFFF086;
	s6 =	sadd.s32 @!p0 s3, s7;
	s7 =	simm.s32 @!p0 $0x108  }
0x21: {  	s3 =	sadd.s32 s3, s9;
	s6 =	sadd.s32 @!p0 $0x88, s6;
	s7 =	simm.s32 @p2 $0x1082  }
0x22: {  	[simem:s7], [sflag:s8] =	dma.local @!p0 [hbm:s6], $0xF7A  }
0x23: {  	s9 =	sor.u32 $0xD0000000, s2;
	s6 =	simm.s32 $0x108;
	_ =	swait.ge @!p0 [sflag:s8], $0x0  }
0x24: {  	s3 =	sadd.s32 $0x88, s3;
	s6 =	simm.s32 @!p1 $0x1082;
	[sflag:s4] =	ssyncset.s32 $0xFFFFF086  }
0x25: {  	[simem:s6], [sflag:s4] =	dma.local [hbm:s3], $0xF7A  }
0x26: {  	[smem:$0x3F96] =	sst s1;
	(tag) =	ssettag s2;
	_ =	strace s9  }
0x27: {  	s1 =	sld [smem:$0x3FA6]  }
0x28: {  	s2 =	sld [smem:$0x3FA7]  }
0x29: {  	s4 =	sld [smem:$0x3FA9]  }
0x2a: {  	p0 =	seq.s32 s5, $0x0;
	s5 =	sld [smem:$0x3FAA]  }
0x2b: {  	s6 =	sld [smem:$0x3FAB]  }
0x2c: {  	s7 =	sld [smem:$0x3FAC]  }
0x2d: {  	s3 =	simm.s32 $0x108;
	s8 =	sld [smem:$0x3FAD]  }
0x2e: {  	s3 =	simm.s32 @!p0 $0x1082;
	s9 =	sld [smem:$0x3FAE]  }
0x2f: {  	lr =	sadd.s32 s0, s3;
	s0 =	sld [smem:$0x3FA5]  }
0x30: {  	s3 =	sld [smem:$0x3FA8]  }
0x31: {  	[smem:$0x3FB1] =	sst s10  }
0x32: {  	s10 =	sld [smem:$0x3FAF];
	_ =	sdelay $0x3  }
0x33: {  	p0 =	seq.s32 s10, $0x1;
	s10 =	sld [smem:$0x3FB1];
	_ =	sdelay $0x3  }
0x34: {  	[smem:$0x3FB1] =	sst s10  }
0x35: {  	s10 =	sld [smem:$0x3FB0];
	_ =	sdelay $0x3  }
0x36: {  	p1 =	seq.s32 s10, $0x1;
	s10 =	sld [smem:$0x3FB1];
	_ =	sdelay $0x3  }
0x37: {  	[smem:$0x3FB1] =	sst s10  }
0x38: {  	s10 =	sld [smem:$0x3FB2]  }
0x39: {  	_ = 	snop;
	(pc) =	sbr.ind lr, $3  }
0x3a: {  	_ = 	snop  }
0x3b: {  	_ = 	snop  }
0x3c: {  	p2 =	seq.s32 s10, $0x1;
	s10 =	sld [smem:$0x3FB1]  }
0x3d: {  	_ =	shalt  }
0x3e: {  	_ =	shalt  }
0x3f: {  	_ =	shalt  }
0x40: {  	_ =	shalt  }
0x41: {  	_ =	shalt  }
0x42: {  	_ =	shalt  }
0x43: {  	_ =	shalt  }
0x44: {  	_ =	shalt  }
0x45: {  	_ =	shalt  }
0x46: {  	_ =	shalt  }
0x47: {  	_ =	shalt  }
0x48: {  	_ =	shalt  }
0x49: {  	_ =	shalt  }
0x4a: {  	_ =	shalt  }
0x4b: {  	_ =	shalt  }
0x4c: {  	_ =	shalt  }
0x4d: {  	_ =	shalt  }
0x4e: {  	_ =	shalt  }
0x4f: {  	_ =	shalt  }
0x50: {  	_ =	shalt  }
0x51: {  	_ =	shalt  }
0x52: {  	_ =	shalt  }
0x53: {  	_ =	shalt  }
0x54: {  	_ =	shalt  }
0x55: {  	_ =	shalt  }
0x56: {  	_ =	shalt  }
0x57: {  	_ =	shalt  }
0x58: {  	_ =	shalt  }
0x59: {  	_ =	shalt  }
0x5a: {  	_ =	shalt  }
0x5b: {  	_ =	shalt  }
0x5c: {  	_ =	shalt  }
0x5d: {  	_ =	shalt  }
0x5e: {  	_ =	shalt  }
0x5f: {  	_ =	shalt  }
0x60: {  	_ =	shalt  }
0x61: {  	_ =	shalt  }
0x62: {  	_ =	shalt  }
0x63: {  	_ =	shalt  }
0x64: {  	_ =	shalt  }
0x65: {  	_ =	shalt  }
0x66: {  	_ =	shalt  }
0x67: {  	_ =	shalt  }
0x68: {  	_ =	shalt  }
0x69: {  	_ =	shalt  }
0x6a: {  	_ =	shalt  }
0x6b: {  	_ =	shalt  }
0x6c: {  	_ =	shalt  }
0x6d: {  	_ =	shalt  }
0x6e: {  	_ =	shalt  }
0x6f: {  	_ =	shalt  }
0x70: {  	_ =	shalt  }
0x71: {  	_ =	shalt  }
0x72: {  	_ =	shalt  }
0x73: {  	_ =	shalt  }
0x74: {  	_ =	shalt  }
0x75: {  	_ =	shalt  }
0x76: {  	_ =	shalt  }
0x77: {  	_ =	shalt  }
0x78: {  	_ =	shalt  }
0x79: {  	_ =	shalt  }
0x7a: {  	_ =	shalt  }
0x7b: {  	_ =	shalt  }
0x7c: {  	_ =	shalt  }
0x7d: {  	_ =	shalt  }
0x7e: {  	_ =	shalt  }
0x7f: {  	_ =	shalt  }
0x80: {  	_ =	shalt  }
0x81: {  	_ =	shalt  }
0x82: {  	_ =	shalt  }
0x83: {  	_ =	shalt  }
0x84: {  	_ =	shalt  }
0x85: {  	_ =	shalt  }
0x86: {  	_ =	shalt  }
0x87: {  	_ =	shalt  }
.Lfunc_end0:
.L_simem_size_0:
called_computation.1_lowered:
.L_overlay_start_0:
0x88: {  	s2 =	sld [smem:$0x3FD9]  }
0x89: {  	s3 =	sld [smem:$0x3FFE];
	_ =	sdelay $0x1  }
0x8a: {  	s1 =	srdreg.scid  }
0x8b: {  	s0 =	sand.u32 $0x1, s1  }
0x8c: {  	s17 =	sshll.u32 s0, $0xA;
	s2 =	sadd.s32 s3, s2  }
0x8d: {  	s2 =	sadd.s32 s2, s17  }
0x8e: {  	[smem:$0x3FBD] =	sst s2  }
0x8f: {  	_ = 	snop  }
0x90: {  	s2 =	sld [smem:$0x3FD0];
	(tm) =	ssettm $0x1  }
0x91: {  	s18 =	sld [smem:$0x3FFB];
	_ =	sdelay $0x3  }
0x92: {  	_ =	strace s18  }
0x93: {  	s3 =	sld [smem:$0x3FFC];
	_ =	sdelay $0x3  }
0x94: {  	_ =	strace s3  }
0x95: {  	s3 =	sld [smem:$0x3FFD];
	_ =	sdelay $0x3  }
0x96: {  	_ =	strace s3  }
0x97: {  	_ =	strace $0x8FFFFFFF  }
0x98: {  	s19 =	sld [smem:$0x3FDB];
	_ =	sdelay $0x1  }
0x99: {  	s4 =	simm.s32 $_scs_section_size  }
0x9a: {  	s5 =	simm.s32 $_size__tile_overlayer_lowered;
	s6 =	simm.s32 $_tile_overlayer_lowered  }
0x9b: {  	s22 =	simm.s32 $0x1BFF;
	s21 =	sshll.u32 s6, $0x1;
	s3 =	sadd.s32 s4, s19  }
0x9c: {  	s7 =	simm.s32 $0x0;
	s20 =	sshll.u32 s5, $0x1;
	s5 =	sadd.s32 s21, s3  }
0x9d: {  	[timem:s7], [sflag:s22] =	dma.local [hbm:s5], s20  }
0x9e: {  	_ =	swait.ge [sflag:s22], s20  }
0x9f: {  	s4 =	ssub.s32 $0x0, s20;
	[sflag:s22] =	ssyncset.done $0x0  }
0xa0: {  	[sflag:s22] =	ssyncadd.s32 s4;
	_ =	sdelay $0x1  }
0xa1: {  	s23 =	simm.s32 $0x1B8B  }
0xa2: {  	_ =	swait.ge [sflag:s23], $0x1  }
0xa3: {  	[sflag:s23] =	ssyncset.done $0x0  }
0xa4: {  	s25 =	simm.s32 $0x1B8E;
	s24 =	sld [smem:$0x3FFE];
	[sflag:s23] =	ssyncadd.s32 $0xFFFFFFFF  }
0xa5: {  	s26 =	simm.s32 $execute0_lowered;
	[smem:$0x3FD2] =	sst s25  }
0xa6: {  	s5 =	sshll.u32 s26, $0x1;
	_ =	strace $0x80000049;
	[dreg:$0x1] =	wrdreg $0xFFFFFFFF  }
0xa7: {  	s28 =	simm.s32 $_size_execute0_lowered;
	s3 =	sadd.s32 s3, s5;
	[dreg:$0x0] =	wrdreg $0x0  }
0xa8: {  	s5 =	sshll.u32 s28, $0x1;
	[dreg:$0x2] =	wrdreg s3  }
0xa9: {  	[dreg:$0x3] =	wrdreg s5  }
0xaa: {  	[dreg:$0x4] =	wrdreg $0xC0  }
0xab: {  	_ =	task [dreg:s7], $0x5FFFF  }
0xac: {  	[dreg:$0x1] =	wrdreg $0xFFFFFFFF  }
0xad: {  	[dreg:$0x0] =	wrdreg $0x60  }
0xae: {  	[dreg:$0x2] =	wrdreg s24  }
0xaf: {  	[dreg:$0x3] =	wrdreg s2  }
0xb0: {  	[dreg:$0x4] =	wrdreg $0x93000  }
0xb1: {  	[dreg:$0x5] =	wrdreg $0x1D3000  }
0xb2: {  	[dreg:$0x6] =	wrdreg $0x9  }
0xb3: {  	_ =	task.clear_ibuf [dreg:s7], $0x7FFFF;
	_ =	strace $0x90000049  }
0xb4: {  	s29 =	simm.s32 $0x9;
	_ =	strace $0x8000004B  }
0xb5: {  	_ =	swait.ge [sflag:s29], $0x1  }
0xb6: {  	[sflag:s29] =	ssyncadd.s32 $0xFFFFFFFF  }
0xb7: {  	_ =	strace $0x9000004B  }
0xb8: {  	_ =	sfence  }
0xb9: {  	s30 =	sld [smem:$0x0];
	_ =	sdelay $0x2  }
0xba: {  	s31 =	sshll.u32 s1, $0xD;
	s1 =	sshrl.u32 s1, $0x2  }
0xbb: {  	s3 =	sand.u32 $0x4000, s31;
	s1 =	sadd.s32 s1, s30  }
0xbc: {  	s0 =	sor.u32 s3, s0;
	s1 =	sshll.u32 s1, $0x11  }
0xbd: {  	s0 =	sor.u32 s1, s0  }
0xbe: {  	s0 =	sadd.s32 $0x8F2B, s0  }
0xbf: {  	[sflag:s0] =	ssyncadd.remote.s32 $0x1  }
0xc0: {  	_ =	sfence.sel $0xFFFF  }
0xc1: {  	[dreg:$0x0] =	wrdreg $0xFFFFFFFF;
	(pc) =	sbr.abs _section_cstart, $3  }
0xc2: {  	[dreg:$0x1] =	wrdreg $0xFFFFFFFF  }
0xc3: {  	_ =	task.clear_ibuf [dreg:s7], $0x2FFFF;
	_ =	strace $0x9FFFFFFF  }
0xc4: {  	(tm) =	ssettm $0x7FFFFFFF  }
0xc5: {  	_ =	shalt  }
tec
execute0_lowered:
.L_overlay_start_1:
0x0: {  	(tag) =	ssettag $0x1  }
0x1: {  	s5 =	rddreg [dreg:$0x0]  }
0x2: {  	s11 =	rddreg [dreg:$0x1]  }
0x3: {  	s2 =	rddreg [dreg:$0x2];
	s0 =	srdreg.scid  }
0x4: {  	s10 =	rddreg [dreg:$0x3];
	s1 =	stileid.u32  }
0x5: {  	s3 =	simm.s32 $0x0;
	s17 =	simm.s32 $0x9000;
	s7 =	smul.u32 $0x14000, s1  }
0x6: {  	s18 =	simm.s32 $0x2800;
	s19 =	simm.s32 $0x80;
	s9 =	smul.u32 $0x2800, s1  }
0x7: {  	s6 =	sand.u32 $0x1, s0;
	s0 =	rddreg [dreg:$0x4];
	s12 =	smul.u32 $0x50000, s1  }
0x8: {  	s20 =	simm.s32 $0x1;
	[smem:$0x7FF] =	sst s3;
	s29 =	smul.u32 $0xA00, s1  }
0x9: {  	s21 =	sshll.u32 s1, $0x6;
	s4 =	smul.u32 $0x140000, s6;
	_ =	strace $0x8000004A  }
0xa: {  	s26 =	ssub.s32 $0x2, s6;
	s15 =	smul.u32 $0x28000, s6;
	s21 =	sor.u32 $0x1C02, s21  }
0xb: {  	s25 =	sshrl.u32 s9, $0x3;
	s28 =	sshrl.u32 s12, $0x2;
	s30 =	sshrl.u32 s26, $0x1  }
0xc: {  	s12 =	sshrl.u32 s29, $0x2;
	s4 =	sadd.s32 s7, s4;
	s13 =	sadd.s32 s25, s5  }
0xd: {  	s16 =	ssub.s32 s26, s30;
	s15 =	sadd.s32 s9, s15;
	s10 =	sadd.s32 s12, s10  }
0xe: {  	s8 =	sshrl.u32 s4, $0x3;
	s4 =	sadd.s32 $0x7000, s5;
	s31 =	sshrl.u32 s15, $0x3  }
0xf: {  	s12 =	sadd.s32 $0x2000, s13;
	s14 =	sadd.s32 s8, s5;
	s5 =	sadd.s32 s28, s2  }
0x10: {  	s15 =	simm.s32 $0x5000;
	s11 =	sadd.s32 s11, s31;
	s6 =	sadd.s32 $0x4000, s5  }
0x11: {  	s7 =	sadd.s32 $0x8000, s5;
	s8 =	sadd.s32 $0xC000, s5;
	s9 =	sadd.s32 $0x10000, s5  }
0x12: {  	v0 =	vimm.f32 $0.0e+00;
	v1 =	vimm.f32 $1.000000000e+00;
	s13 =	sadd.s32 $0x57000, s14;
	s14 =	smax.u32 s16, $0x1;
	s16 =	simm.s32 $0x2  }
.LBB2_1:
0x13: {  	s22 =	simm.s32 $0x0;
	s23 =	simm.s32 $0x200  }
.LBB2_2:
0x14: {  	p0 =	sne.s32 s23, $0xFE00;
	[tilespmem:s22+$0x5070] =	vst v0  }
0x15: {  	[tilespmem:s22+$0x5000] =	vst v0  }
0x16: {  	[tilespmem:s22+$0x5010] =	vst v0  }
.Ltmp0:
0x17: {  	[tilespmem:s22+$0x5020] =	vst v0;
	(pc) =	sbr.rel @p0 .LBB2_2-.Ltmp0, $4  }
0x18: {  	[tilespmem:s22+$0x5030] =	vst v0  }
0x19: {  	[tilespmem:s22+$0x5040] =	vst v0  }
0x1a: {  	[tilespmem:s22+$0x5050] =	vst v0  }
0x1b: {  	[tilespmem:s22+$0x5060] =	vst v0;
	s22 =	sshra.s32 s23, $0x2;
	s23 =	sadd.s32 $0x200, s23  }
0x1c: {  	[tilespmem:s22+$0x5070] =	vst v0  }
0x1d: {  	[tilespmem:s22+$0x5000] =	vst v0  }
0x1e: {  	[tilespmem:s22+$0x5010] =	vst v0  }
0x1f: {  	[tilespmem:s22+$0x5020] =	vst v0  }
0x20: {  	[tilespmem:s22+$0x5030] =	vst v0  }
0x21: {  	[tilespmem:s22+$0x5040] =	vst v0  }
0x22: {  	[tilespmem:s22+$0x5050] =	vst v0  }
0x23: {  	[tilespmem:s22+$0x5060] =	vst v0  }
0x24: {  	[tilespmem:$0x9000] =	vst v0  }
0x25: {  	[tilespmem:$0x9010] =	vst v0  }
0x26: {  	[tilespmem:$0x9020] =	vst v0  }
0x27: {  	[tilespmem:$0x9030] =	vst v0  }
0x28: {  	[tilespmem:$0x9040] =	vst v0  }
0x29: {  	[tilespmem:$0x9050] =	vst v0  }
0x2a: {  	[tilespmem:$0x9060] =	vst v0  }
0x2b: {  	[tilespmem:$0x9070] =	vst v0  }
0x2c: {  	[tilespmem:$0x9080] =	vst v0  }
0x2d: {  	[tilespmem:$0x9090] =	vst v0  }
0x2e: {  	[tilespmem:$0x90A0] =	vst v0  }
0x2f: {  	[tilespmem:$0x90B0] =	vst v0  }
0x30: {  	[tilespmem:$0x90C0] =	vst v0  }
0x31: {  	[tilespmem:$0x90D0] =	vst v0  }
0x32: {  	[tilespmem:$0x90E0] =	vst v0  }
0x33: {  	[tilespmem:$0x90F0] =	vst v0  }
0x34: {  	[tilespmem:$0x9100] =	vst v0  }
0x35: {  	[tilespmem:$0x9110] =	vst v0  }
0x36: {  	[tilespmem:$0x9120] =	vst v0  }
0x37: {  	[tilespmem:$0x9130] =	vst v0  }
0x38: {  	[tilespmem:$0x9140] =	vst v0  }
0x39: {  	[tilespmem:$0x9150] =	vst v0  }
0x3a: {  	[tilespmem:$0x9160] =	vst v0  }
0x3b: {  	[tilespmem:$0x9170] =	vst v0  }
0x3c: {  	[tilespmem:$0x9180] =	vst v0  }
0x3d: {  	[tilespmem:$0x9190] =	vst v0  }
0x3e: {  	[tilespmem:$0x91A0] =	vst v0  }
0x3f: {  	[tilespmem:$0x91B0] =	vst v0  }
0x40: {  	[tilespmem:$0x91C0] =	vst v0  }
0x41: {  	[tilespmem:$0x91D0] =	vst v0  }
0x42: {  	[tilespmem:$0x91E0] =	vst v0  }
0x43: {  	[tilespmem:$0x91F0] =	vst v0  }
0x44: {  	[tilespmem:$0x9200] =	vst v0  }
0x45: {  	[tilespmem:$0x9210] =	vst v0  }
0x46: {  	[tilespmem:$0x9220] =	vst v0  }
0x47: {  	[tilespmem:$0x9230] =	vst v0  }
0x48: {  	[tilespmem:$0x9240] =	vst v0  }
0x49: {  	[tilespmem:$0x9250] =	vst v0  }
0x4a: {  	[tilespmem:$0x9260] =	vst v0  }
0x4b: {  	[tilespmem:$0x9270] =	vst v0  }
0x4c: {  	[tilespmem:$0x9280] =	vst v1  }
0x4d: {  	[tilespmem:$0x9290] =	vst v1  }
0x4e: {  	[tilespmem:$0x92A0] =	vst v1  }
0x4f: {  	[tilespmem:$0x92B0] =	vst v1  }
0x50: {  	[tilespmem:$0x92C0] =	vst v1  }
0x51: {  	[tilespmem:$0x92D0] =	vst v1  }
0x52: {  	[tilespmem:$0x92E0] =	vst v1  }
0x53: {  	[tilespmem:$0x92F0] =	vst v1  }
0x54: {  	[spmem:s5] =	stream.linear.scatter [tilespmem:s15], [sflag:$0x2], $0x4000, $0x38;
	[tilespmem:$0x1D580] =	vst v63  }
0x55: {  	_ =	swait.ge [sflag:s16], $0x4000  }
0x56: {  	[sflag:s16] =	ssyncset.done $0x0  }
0x57: {  	[sflag:s16] =	ssyncadd.s32 $0xFFFFC000  }
0x58: {  	[spmem:s6] =	stream.linear.scatter [tilespmem:s15], [sflag:$0x2], $0x4000, $0x38;
	[tilespmem:$0x1D580] =	vst v63  }
0x59: {  	_ =	swait.ge [sflag:s16], $0x4000  }
0x5a: {  	[sflag:s16] =	ssyncset.done $0x0  }
0x5b: {  	[sflag:s16] =	ssyncadd.s32 $0xFFFFC000  }
0x5c: {  	[spmem:s7] =	stream.linear.scatter [tilespmem:s15], [sflag:$0x2], $0x4000, $0x38;
	[tilespmem:$0x1D580] =	vst v63  }
0x5d: {  	_ =	swait.ge [sflag:s16], $0x4000  }
0x5e: {  	[sflag:s16] =	ssyncset.done $0x0  }
0x5f: {  	[sflag:s16] =	ssyncadd.s32 $0xFFFFC000  }
0x60: {  	[spmem:s8] =	stream.linear.scatter [tilespmem:s15], [sflag:$0x2], $0x4000, $0x38;
	[tilespmem:$0x1D580] =	vst v63  }
0x61: {  	_ =	swait.ge [sflag:s16], $0x4000  }
0x62: {  	[sflag:s16] =	ssyncset.done $0x0  }
0x63: {  	[sflag:s16] =	ssyncadd.s32 $0xFFFFC000  }
0x64: {  	[spmem:s9] =	stream.linear.scatter [tilespmem:s15], [sflag:$0x2], $0x4000, $0x38;
	[tilespmem:$0x1D580] =	vst v63  }
0x65: {  	_ =	swait.ge [sflag:s16], $0x4000  }
0x66: {  	[sflag:s16] =	ssyncset.done $0x0  }
0x67: {  	[sflag:s16] =	ssyncadd.s32 $0xFFFFC000  }
0x68: {  	[spmem:s10] =	stream.linear.scatter [tilespmem:s17], [sflag:$0x2], $0x280, $0x38;
	[tilespmem:$0x1D580] =	vst v63  }
0x69: {  	_ =	swait.ge [sflag:s16], $0x280  }
0x6a: {  	[sflag:s16] =	ssyncset.done $0x0  }
0x6b: {  	[sflag:s16] =	ssyncadd.s32 $0xFFFFFD80  }
0x6c: {  	s29 =	simm.s32 $0x0;
	[bflag:$0x0] =	sbarrier.arrive $0xFFFF  }
0x6d: {  	[tilespmem:s29], [sflag:$0x2] =	stream.linear.gather [hbm4b:s11+s29], $0x2800, $0x38;
	[tilespmem:$0x1D580] =	vst v63  }
0x6e: {  	_ =	swait.ge [sflag:s16], $0x2800  }
0x6f: {  	[sflag:s16] =	ssyncset.done $0x0  }
0x70: {  	[sflag:s16] =	ssyncadd.s32 $0xFFFFD800  }
0x71: {  	[tilespmem:s18], [sflag:$0x2] =	stream.linear.gather [hbm4b:s12+s29], $0x2800, $0x38;
	[tilespmem:$0x1D580] =	vst v63  }
0x72: {  	_ =	swait.ge [sflag:s16], $0x2800  }
0x73: {  	[sflag:s16] =	ssyncset.done $0x0  }
0x74: {  	s30 =	simm.s32 $0x0;
	[sflag:s16] =	ssyncadd.s32 $0xFFFFD800  }
0x75: {  	[tilespmem:s15], [sflag:$0x1] =	stream.indirect.gather [hbm4b:s4+s19], $0x80, s30, s19, $0xb8;
	[tilespmem:$0x1D580] =	vst v63  }
0x76: {  	_ =	swait.ge [sflag:s20], $0x4000  }
0x77: {  	[sflag:s20] =	ssyncset.done $0x0  }
0x78: {  	s31 =	simm.s32 $0x2800;
	[sflag:s20] =	ssyncadd.s32 $0xFFFFC000  }
0x79: {  	[spmem:s2] =	stream.indirect.scatter.add.f32 [tilespmem:s15], [sflag:$0x2], $0x80, s31, s19, $0xb8;
	[tilespmem:$0x1D580] =	vst v63  }
0x7a: {  	_ =	swait.ge [sflag:s16], $0x4000  }
0x7b: {  	s22 =	simm.s32 $0x200;
	s23 =	simm.s32 $0x400;
	[sflag:s16] =	ssyncset.done $0x0  }
.LBB2_4:
0x7c: {  	s24 =	sshra.s32 s22, $0x2  }
0x7d: {  	[sflag:s16] =	ssyncadd.s32 $0xFFFFC000;
	s22 =	smov.u32 s23;
	s25 =	sadd.s32 $0x200, s23  }
0x7e: {  	[tilespmem:s15], [sflag:$0x1] =	stream.indirect.gather [hbm4b:s4+s19], $0x80, s24, s19, $0xb8;
	[tilespmem:$0x1D580] =	vst v63  }
0x7f: {  	p0 =	sne.s32 s23, $0x9E00;
	_ =	swait.ge [sflag:s20], $0x4000  }
.Ltmp1:
0x80: {  	[sflag:s20] =	ssyncset.done $0x0;
	(pc) =	sbr.rel @p0 .LBB2_4-.Ltmp1, $4  }
0x81: {  	s23 =	sadd.s32 $0x2800, s24;
	[sflag:s20] =	ssyncadd.s32 $0xFFFFC000  }
0x82: {  	[spmem:s2] =	stream.indirect.scatter.add.f32 [tilespmem:s15], [sflag:$0x2], $0x80, s23, s19, $0xb8;
	[tilespmem:$0x1D580] =	vst v63  }
0x83: {  	_ =	swait.ge [sflag:s16], $0x4000  }
0x84: {  	s23 =	smov.u32 s25;
	[sflag:s16] =	ssyncset.done $0x0  }
0x85: {  	s22 =	sshra.s32 s22, $0x2;
	[sflag:s16] =	ssyncadd.s32 $0xFFFFC000  }
0x86: {  	[tilespmem:s15], [sflag:$0x1] =	stream.indirect.gather [hbm4b:s4+s19], $0x80, s22, s19, $0xb8;
	[tilespmem:$0x1D580] =	vst v63  }
0x87: {  	_ =	swait.ge [sflag:s20], $0x4000  }
0x88: {  	[sflag:s20] =	ssyncset.done $0x0  }
0x89: {  	s22 =	sadd.s32 $0x2800, s22;
	[sflag:s20] =	ssyncadd.s32 $0xFFFFC000  }
0x8a: {  	[spmem:s2] =	stream.indirect.scatter.add.f32 [tilespmem:s15], [sflag:$0x2], $0x80, s22, s19, $0xb8;
	[tilespmem:$0x1D580] =	vst v63  }
0x8b: {  	_ =	swait.ge [sflag:s16], $0x4000  }
0x8c: {  	s3 =	sadd.s32 $0x1, s3;
	[sflag:s16] =	ssyncset.done $0x0  }
0x8d: {  	p0 =	sne.s32 s3, s14;
	[sflag:s16] =	ssyncadd.s32 $0xFFFFC000  }
.Ltmp2:
0x8e: {  	s31 =	sshrl.u32 s5, $0x3;
	[bflag:$0x0] =	sbarrier.arrive $0xFFFF;
	(pc) =	sbr.rel @p0 .LBB2_1-.Ltmp2, $4  }
0x8f: {  	[hbm:s13], [sflag:s21] =	dma.local [spmem:s31], $0x2800  }
0x90: {  	_ =	swait.ge [sflag:s16], $0x2800  }
0x91: {  	[sflag:s16] =	ssyncset.done $0x0  }
0x92: {  	[sflag:s16] =	ssyncadd.s32 $0xFFFFD800  }
0x93: {  	_ =	sfence.sel $0x180000  }
0x94: {  	[bflag:$0x0] =	sbarrier.arrive $0xFFFF  }
0x95: {  	p0 =	sne.s32 s1, $0x0;
	_ =	strace $0x9000004A  }
0x96: {  	s0 =	sadd.s32 @!p0 $0x100000, s0;
	[bflag:$0x2] =	sbarrier.arrive $0xFFFF  }
0x97: {  	[sflag:s0] =	ssyncadd.tile.s32 @!p0 $0x1;
	_ =	shalt  }
.Lfunc_end2:
_tile_overlayer_lowered:
.L_overlay_start_2:
0x98: {  	(tag) =	ssettag $0x2  }
0x99: {  	s0 =	rddreg [dreg:$0x0];
	s2 =	stileid.u32  }
0x9a: {  	s1 =	rddreg [dreg:$0x1];
	p0 =	sne.s32 s2, $0x0  }
0x9b: {  	s3 =	rddreg [dreg:$0x2];
	[bflag:$0x3] =	sbarrier.arrive $0xFFFF;
	s2 =	simm.s32 @!p0 $0x1C02  }
0x9c: {  	[timem:s3], [sflag:s2] =	dma.local @!p0 [hbm:s0], s1  }
0x9d: {  	s0 =	simm.s32 @!p0 $0x2  }
0x9e: {  	_ =	swait.ge @!p0 [sflag:s0], s1  }
0x9f: {  	s1 =	ssub.s32 @!p0 $0x0, s1;
	[sflag:s0] =	ssyncset.done @!p0 $0x0  }
0xa0: {  	[sflag:s0] =	ssyncadd.s32 @!p0 s1  }
0xa1: {  	[bflag:$0x3] =	sbarrier.arrive $0xFFFF  }
0xa2: {  	_ =	shalt  }

// kernel: kernel.14.cloned.1.call-start
scs
__scs_entry_jumppad:
0x0: {  	(pc) =	sbr.rel $0x88, $3  }
0x1: {  	(tag) =	ssettag $0x0;
	lr =	simm.s32 $0x1  }
0x2: {  	[smem:$0x3F96] =	sst lr;
	_ =	strace $0xD0000000  }
0x3: {  	_ = 	snop  }
0x4: {  	_ = 	snop  }
0x5: {  	_ = 	snop  }
0x6: {  	_ = 	snop  }
0x7: {  	_ = 	snop  }
__scs_overlays_trampoline_lowered:
0x8: {  	[smem:$0x3FA5] =	sst s0  }
0x9: {  	[smem:$0x3FA6] =	sst s1  }
0xa: {  	[smem:$0x3FA7] =	sst s2  }
0xb: {  	[smem:$0x3FA8] =	sst s3  }
0xc: {  	[smem:$0x3FA9] =	sst s4  }
0xd: {  	[smem:$0x3FAA] =	sst s5  }
0xe: {  	[smem:$0x3FAB] =	sst s6  }
0xf: {  	[smem:$0x3FAC] =	sst s7  }
0x10: {  	[smem:$0x3FAD] =	sst s8  }
0x11: {  	[smem:$0x3FAE] =	sst s9;
	s0 =	simm.s32 @!p0 $0x0  }
0x12: {  	s1 =	sld [smem:$0x3F94];
	s0 =	simm.s32 @p0 $0x1  }
0x13: {  	[smem:$0x3FAF] =	sst s0;
	s0 =	simm.s32 @!p1 $0x0  }
0x14: {  	s2 =	sld [smem:$0x3F93];
	s0 =	simm.s32 @p1 $0x1  }
0x15: {  	[smem:$0x3FB0] =	sst s0;
	s0 =	simm.s32 @!p2 $0x0  }
0x16: {  	s3 =	sld [smem:$0x3FDB];
	s0 =	simm.s32 @p2 $0x1  }
0x17: {  	s4 =	simm.s32 $0x1BF5;
	[smem:$0x3FB2] =	sst s0  }
0x18: {  	s0 =	sld [smem:$0x3F95];
	_ =	swait.ge [sflag:s4], $0x0  }
0x19: {  	s7 =	sld [smem:$0x3F96]  }
0x1a: {  	s8 =	sadd.s32 $0xFFFFE003, lr  }
0x1b: {  	s9 =	sadd.s32 $0xFFFFFEF7, lr;
	s5 =	simm.s32 $0xFFFFFFFF;
	p2 =	slt.u32 s8, $0xFFFFF086  }
0x1c: {  	p1 =	slt.u32 s9, $0xF7A;
	s5 =	simm.s32 @!p2 $0x0  }
0x1d: {  	s5 =	simm.s32 @p1 $0x1;
	p0 =	seq.s32 s7, s2  }
0x1e: {  	s7 =	smul.u32 @!p0 $0xF7A, s2;
	p2 =	seq.s32 @!p0 s5, $0x0  }
0x1f: {  	s9 =	smul.u32 $0xF7A, s1;
	s8 =	simm.s32 @!p0 $0x1BF5;
	p2 =	por !p2, p0  }
0x20: {  	[sflag:s8] =	ssyncset.s32 @!p0 $0xFFFFF086;
	s6 =	sadd.s32 @!p0 s3, s7;
	s7 =	simm.s32 @!p0 $0x108  }
0x21: {  	s3 =	sadd.s32 s3, s9;
	s6 =	sadd.s32 @!p0 $0x88, s6;
	s7 =	simm.s32 @p2 $0x1082  }
0x22: {  	[simem:s7], [sflag:s8] =	dma.local @!p0 [hbm:s6], $0xF7A  }
0x23: {  	s9 =	sor.u32 $0xD0000000, s2;
	s6 =	simm.s32 $0x108;
	_ =	swait.ge @!p0 [sflag:s8], $0x0  }
0x24: {  	s3 =	sadd.s32 $0x88, s3;
	s6 =	simm.s32 @!p1 $0x1082;
	[sflag:s4] =	ssyncset.s32 $0xFFFFF086  }
0x25: {  	[simem:s6], [sflag:s4] =	dma.local [hbm:s3], $0xF7A  }
0x26: {  	[smem:$0x3F96] =	sst s1;
	(tag) =	ssettag s2;
	_ =	strace s9  }
0x27: {  	s1 =	sld [smem:$0x3FA6]  }
0x28: {  	s2 =	sld [smem:$0x3FA7]  }
0x29: {  	s4 =	sld [smem:$0x3FA9]  }
0x2a: {  	p0 =	seq.s32 s5, $0x0;
	s5 =	sld [smem:$0x3FAA]  }
0x2b: {  	s6 =	sld [smem:$0x3FAB]  }
0x2c: {  	s7 =	sld [smem:$0x3FAC]  }
0x2d: {  	s3 =	simm.s32 $0x108;
	s8 =	sld [smem:$0x3FAD]  }
0x2e: {  	s3 =	simm.s32 @!p0 $0x1082;
	s9 =	sld [smem:$0x3FAE]  }
0x2f: {  	lr =	sadd.s32 s0, s3;
	s0 =	sld [smem:$0x3FA5]  }
0x30: {  	s3 =	sld [smem:$0x3FA8]  }
0x31: {  	[smem:$0x3FB1] =	sst s10  }
0x32: {  	s10 =	sld [smem:$0x3FAF];
	_ =	sdelay $0x3  }
0x33: {  	p0 =	seq.s32 s10, $0x1;
	s10 =	sld [smem:$0x3FB1];
	_ =	sdelay $0x3  }
0x34: {  	[smem:$0x3FB1] =	sst s10  }
0x35: {  	s10 =	sld [smem:$0x3FB0];
	_ =	sdelay $0x3  }
0x36: {  	p1 =	seq.s32 s10, $0x1;
	s10 =	sld [smem:$0x3FB1];
	_ =	sdelay $0x3  }
0x37: {  	[smem:$0x3FB1] =	sst s10  }
0x38: {  	s10 =	sld [smem:$0x3FB2]  }
0x39: {  	_ = 	snop;
	(pc) =	sbr.ind lr, $3  }
0x3a: {  	_ = 	snop  }
0x3b: {  	_ = 	snop  }
0x3c: {  	p2 =	seq.s32 s10, $0x1;
	s10 =	sld [smem:$0x3FB1]  }
0x3d: {  	_ =	shalt  }
0x3e: {  	_ =	shalt  }
0x3f: {  	_ =	shalt  }
0x40: {  	_ =	shalt  }
0x41: {  	_ =	shalt  }
0x42: {  	_ =	shalt  }
0x43: {  	_ =	shalt  }
0x44: {  	_ =	shalt  }
0x45: {  	_ =	shalt  }
0x46: {  	_ =	shalt  }
0x47: {  	_ =	shalt  }
0x48: {  	_ =	shalt  }
0x49: {  	_ =	shalt  }
0x4a: {  	_ =	shalt  }
0x4b: {  	_ =	shalt  }
0x4c: {  	_ =	shalt  }
0x4d: {  	_ =	shalt  }
0x4e: {  	_ =	shalt  }
0x4f: {  	_ =	shalt  }
0x50: {  	_ =	shalt  }
0x51: {  	_ =	shalt  }
0x52: {  	_ =	shalt  }
0x53: {  	_ =	shalt  }
0x54: {  	_ =	shalt  }
0x55: {  	_ =	shalt  }
0x56: {  	_ =	shalt  }
0x57: {  	_ =	shalt  }
0x58: {  	_ =	shalt  }
0x59: {  	_ =	shalt  }
0x5a: {  	_ =	shalt  }
0x5b: {  	_ =	shalt  }
0x5c: {  	_ =	shalt  }
0x5d: {  	_ =	shalt  }
0x5e: {  	_ =	shalt  }
0x5f: {  	_ =	shalt  }
0x60: {  	_ =	shalt  }
0x61: {  	_ =	shalt  }
0x62: {  	_ =	shalt  }
0x63: {  	_ =	shalt  }
0x64: {  	_ =	shalt  }
0x65: {  	_ =	shalt  }
0x66: {  	_ =	shalt  }
0x67: {  	_ =	shalt  }
0x68: {  	_ =	shalt  }
0x69: {  	_ =	shalt  }
0x6a: {  	_ =	shalt  }
0x6b: {  	_ =	shalt  }
0x6c: {  	_ =	shalt  }
0x6d: {  	_ =	shalt  }
0x6e: {  	_ =	shalt  }
0x6f: {  	_ =	shalt  }
0x70: {  	_ =	shalt  }
0x71: {  	_ =	shalt  }
0x72: {  	_ =	shalt  }
0x73: {  	_ =	shalt  }
0x74: {  	_ =	shalt  }
0x75: {  	_ =	shalt  }
0x76: {  	_ =	shalt  }
0x77: {  	_ =	shalt  }
0x78: {  	_ =	shalt  }
0x79: {  	_ =	shalt  }
0x7a: {  	_ =	shalt  }
0x7b: {  	_ =	shalt  }
0x7c: {  	_ =	shalt  }
0x7d: {  	_ =	shalt  }
0x7e: {  	_ =	shalt  }
0x7f: {  	_ =	shalt  }
0x80: {  	_ =	shalt  }
0x81: {  	_ =	shalt  }
0x82: {  	_ =	shalt  }
0x83: {  	_ =	shalt  }
0x84: {  	_ =	shalt  }
0x85: {  	_ =	shalt  }
0x86: {  	_ =	shalt  }
0x87: {  	_ =	shalt  }
.Lfunc_end0:
.L_simem_size_0:
called_computation.2_lowered:
.L_overlay_start_0:
0x88: {  	s2 =	sld [smem:$0x3FD9]  }
0x89: {  	s3 =	sld [smem:$0x3FFE];
	_ =	sdelay $0x1  }
0x8a: {  	s1 =	srdreg.scid  }
0x8b: {  	s0 =	sand.u32 $0x1, s1  }
0x8c: {  	s17 =	sshll.u32 s0, $0xA;
	s2 =	sadd.s32 s3, s2  }
0x8d: {  	s2 =	sadd.s32 s2, s17  }
0x8e: {  	[smem:$0x3FBD] =	sst s2  }
0x8f: {  	_ = 	snop  }
0x90: {  	s2 =	sld [smem:$0x3FD0];
	(tm) =	ssettm $0x1  }
0x91: {  	s18 =	sld [smem:$0x3FFB];
	_ =	sdelay $0x3  }
0x92: {  	_ =	strace s18  }
0x93: {  	s3 =	sld [smem:$0x3FFC];
	_ =	sdelay $0x3  }
0x94: {  	_ =	strace s3  }
0x95: {  	s3 =	sld [smem:$0x3FFD];
	_ =	sdelay $0x3  }
0x96: {  	_ =	strace s3  }
0x97: {  	_ =	strace $0x8FFFFFFF  }
0x98: {  	s19 =	sld [smem:$0x3FDB];
	_ =	sdelay $0x1  }
0x99: {  	s4 =	simm.s32 $_scs_section_size  }
0x9a: {  	s5 =	simm.s32 $_size__tile_overlayer_lowered;
	s6 =	simm.s32 $_tile_overlayer_lowered  }
0x9b: {  	s22 =	simm.s32 $0x1BFF;
	s21 =	sshll.u32 s6, $0x1;
	s3 =	sadd.s32 s4, s19  }
0x9c: {  	s7 =	simm.s32 $0x0;
	s20 =	sshll.u32 s5, $0x1;
	s5 =	sadd.s32 s21, s3  }
0x9d: {  	[timem:s7], [sflag:s22] =	dma.local [hbm:s5], s20  }
0x9e: {  	_ =	swait.ge [sflag:s22], s20  }
0x9f: {  	s4 =	ssub.s32 $0x0, s20;
	[sflag:s22] =	ssyncset.done $0x0  }
0xa0: {  	[sflag:s22] =	ssyncadd.s32 s4;
	_ =	sdelay $0x1  }
0xa1: {  	s23 =	simm.s32 $0x1B8B  }
0xa2: {  	_ =	swait.ge [sflag:s23], $0x1  }
0xa3: {  	[sflag:s23] =	ssyncset.done $0x0  }
0xa4: {  	s25 =	simm.s32 $0x1B8E;
	s24 =	sld [smem:$0x3FFE];
	[sflag:s23] =	ssyncadd.s32 $0xFFFFFFFF  }
0xa5: {  	s26 =	simm.s32 $execute0_lowered;
	[smem:$0x3FD2] =	sst s25  }
0xa6: {  	s5 =	sshll.u32 s26, $0x1;
	_ =	strace $0x8000004C;
	[dreg:$0x1] =	wrdreg $0xFFFFFFFF  }
0xa7: {  	s28 =	simm.s32 $_size_execute0_lowered;
	s3 =	sadd.s32 s3, s5;
	[dreg:$0x0] =	wrdreg $0x0  }
0xa8: {  	s5 =	sshll.u32 s28, $0x1;
	[dreg:$0x2] =	wrdreg s3  }
0xa9: {  	[dreg:$0x3] =	wrdreg s5  }
0xaa: {  	[dreg:$0x4] =	wrdreg $0xC0  }
0xab: {  	_ =	task [dreg:s7], $0x5FFFF  }
0xac: {  	[dreg:$0x1] =	wrdreg $0xFFFFFFFF  }
0xad: {  	[dreg:$0x0] =	wrdreg $0x60  }
0xae: {  	[dreg:$0x2] =	wrdreg s24  }
0xaf: {  	[dreg:$0x3] =	wrdreg s2  }
0xb0: {  	[dreg:$0x4] =	wrdreg $0x93000  }
0xb1: {  	[dreg:$0x5] =	wrdreg $0x1D3000  }
0xb2: {  	[dreg:$0x6] =	wrdreg $0x9  }
0xb3: {  	_ =	task.clear_ibuf [dreg:s7], $0x7FFFF;
	_ =	strace $0x9000004C  }
0xb4: {  	s29 =	simm.s32 $0x9;
	_ =	strace $0x8000004E  }
0xb5: {  	_ =	swait.ge [sflag:s29], $0x1  }
0xb6: {  	[sflag:s29] =	ssyncadd.s32 $0xFFFFFFFF  }
0xb7: {  	_ =	strace $0x9000004E  }
0xb8: {  	_ =	sfence  }
0xb9: {  	s30 =	sld [smem:$0x0];
	_ =	sdelay $0x2  }
0xba: {  	s31 =	sshll.u32 s1, $0xD;
	s1 =	sshrl.u32 s1, $0x2  }
0xbb: {  	s3 =	sand.u32 $0x4000, s31;
	s1 =	sadd.s32 s1, s30  }
0xbc: {  	s0 =	sor.u32 s3, s0;
	s1 =	sshll.u32 s1, $0x11  }
0xbd: {  	s0 =	sor.u32 s1, s0  }
0xbe: {  	s0 =	sadd.s32 $0x8F2B, s0  }
0xbf: {  	[sflag:s0] =	ssyncadd.remote.s32 $0x1  }
0xc0: {  	_ =	sfence.sel $0xFFFF  }
0xc1: {  	[dreg:$0x0] =	wrdreg $0xFFFFFFFF;
	(pc) =	sbr.abs _section_cstart, $3  }
0xc2: {  	[dreg:$0x1] =	wrdreg $0xFFFFFFFF  }
0xc3: {  	_ =	task.clear_ibuf [dreg:s7], $0x2FFFF;
	_ =	strace $0x9FFFFFFF  }
0xc4: {  	(tm) =	ssettm $0x7FFFFFFF  }
0xc5: {  	_ =	shalt  }
tec
execute0_lowered:
.L_overlay_start_1:
0x0: {  	(tag) =	ssettag $0x1  }
0x1: {  	s5 =	rddreg [dreg:$0x0]  }
0x2: {  	s11 =	rddreg [dreg:$0x1]  }
0x3: {  	s2 =	rddreg [dreg:$0x2];
	s0 =	srdreg.scid  }
0x4: {  	s10 =	rddreg [dreg:$0x3];
	s1 =	stileid.u32  }
0x5: {  	s3 =	simm.s32 $0x0;
	s17 =	simm.s32 $0x9000;
	s7 =	smul.u32 $0x14000, s1  }
0x6: {  	s18 =	simm.s32 $0x2800;
	s19 =	simm.s32 $0x80;
	s9 =	smul.u32 $0x2800, s1  }
0x7: {  	s6 =	sand.u32 $0x1, s0;
	s0 =	rddreg [dreg:$0x4];
	s12 =	smul.u32 $0x50000, s1  }
0x8: {  	s20 =	simm.s32 $0x1;
	[smem:$0x7FF] =	sst s3;
	s29 =	smul.u32 $0xA00, s1  }
0x9: {  	s21 =	sshll.u32 s1, $0x6;
	s4 =	smul.u32 $0x140000, s6;
	_ =	strace $0x8000004D  }
0xa: {  	s26 =	ssub.s32 $0x2, s6;
	s15 =	smul.u32 $0x28000, s6;
	s21 =	sor.u32 $0x1C02, s21  }
0xb: {  	s25 =	sshrl.u32 s9, $0x3;
	s28 =	sshrl.u32 s12, $0x2;
	s30 =	sshrl.u32 s26, $0x1  }
0xc: {  	s12 =	sshrl.u32 s29, $0x2;
	s4 =	sadd.s32 s7, s4;
	s13 =	sadd.s32 s25, s5  }
0xd: {  	s16 =	ssub.s32 s26, s30;
	s15 =	sadd.s32 s9, s15;
	s10 =	sadd.s32 s12, s10  }
0xe: {  	s8 =	sshrl.u32 s4, $0x3;
	s4 =	sadd.s32 $0x7000, s5;
	s31 =	sshrl.u32 s15, $0x3  }
0xf: {  	s12 =	sadd.s32 $0x2000, s13;
	s14 =	sadd.s32 s8, s5;
	s5 =	sadd.s32 s28, s2  }
0x10: {  	s15 =	simm.s32 $0x5000;
	s11 =	sadd.s32 s11, s31;
	s6 =	sadd.s32 $0x4000, s5  }
0x11: {  	s7 =	sadd.s32 $0x8000, s5;
	s8 =	sadd.s32 $0xC000, s5;
	s9 =	sadd.s32 $0x10000, s5  }
0x12: {  	v0 =	vimm.f32 $0.0e+00;
	v1 =	vimm.f32 $1.000000000e+00;
	s13 =	sadd.s32 $0x57000, s14;
	s14 =	smax.u32 s16, $0x1;
	s16 =	simm.s32 $0x2  }
.LBB2_1:
0x13: {  	s22 =	simm.s32 $0x0;
	s23 =	simm.s32 $0x200  }
.LBB2_2:
0x14: {  	p0 =	sne.s32 s23, $0xFE00;
	[tilespmem:s22+$0x5070] =	vst v0  }
0x15: {  	[tilespmem:s22+$0x5000] =	vst v0  }
0x16: {  	[tilespmem:s22+$0x5010] =	vst v0  }
.Ltmp0:
0x17: {  	[tilespmem:s22+$0x5020] =	vst v0;
	(pc) =	sbr.rel @p0 .LBB2_2-.Ltmp0, $4  }
0x18: {  	[tilespmem:s22+$0x5030] =	vst v0  }
0x19: {  	[tilespmem:s22+$0x5040] =	vst v0  }
0x1a: {  	[tilespmem:s22+$0x5050] =	vst v0  }
0x1b: {  	[tilespmem:s22+$0x5060] =	vst v0;
	s22 =	sshra.s32 s23, $0x2;
	s23 =	sadd.s32 $0x200, s23  }
0x1c: {  	[tilespmem:s22+$0x5070] =	vst v0  }
0x1d: {  	[tilespmem:s22+$0x5000] =	vst v0  }
0x1e: {  	[tilespmem:s22+$0x5010] =	vst v0  }
0x1f: {  	[tilespmem:s22+$0x5020] =	vst v0  }
0x20: {  	[tilespmem:s22+$0x5030] =	vst v0  }
0x21: {  	[tilespmem:s22+$0x5040] =	vst v0  }
0x22: {  	[tilespmem:s22+$0x5050] =	vst v0  }
0x23: {  	[tilespmem:s22+$0x5060] =	vst v0  }
0x24: {  	[tilespmem:$0x9000] =	vst v0  }
0x25: {  	[tilespmem:$0x9010] =	vst v0  }
0x26: {  	[tilespmem:$0x9020] =	vst v0  }
0x27: {  	[tilespmem:$0x9030] =	vst v0  }
0x28: {  	[tilespmem:$0x9040] =	vst v0  }
0x29: {  	[tilespmem:$0x9050] =	vst v0  }
0x2a: {  	[tilespmem:$0x9060] =	vst v0  }
0x2b: {  	[tilespmem:$0x9070] =	vst v0  }
0x2c: {  	[tilespmem:$0x9080] =	vst v0  }
0x2d: {  	[tilespmem:$0x9090] =	vst v0  }
0x2e: {  	[tilespmem:$0x90A0] =	vst v0  }
0x2f: {  	[tilespmem:$0x90B0] =	vst v0  }
0x30: {  	[tilespmem:$0x90C0] =	vst v0  }
0x31: {  	[tilespmem:$0x90D0] =	vst v0  }
0x32: {  	[tilespmem:$0x90E0] =	vst v0  }
0x33: {  	[tilespmem:$0x90F0] =	vst v0  }
0x34: {  	[tilespmem:$0x9100] =	vst v0  }
0x35: {  	[tilespmem:$0x9110] =	vst v0  }
0x36: {  	[tilespmem:$0x9120] =	vst v0  }
0x37: {  	[tilespmem:$0x9130] =	vst v0  }
0x38: {  	[tilespmem:$0x9140] =	vst v0  }
0x39: {  	[tilespmem:$0x9150] =	vst v0  }
0x3a: {  	[tilespmem:$0x9160] =	vst v0  }
0x3b: {  	[tilespmem:$0x9170] =	vst v0  }
0x3c: {  	[tilespmem:$0x9180] =	vst v0  }
0x3d: {  	[tilespmem:$0x9190] =	vst v0  }
0x3e: {  	[tilespmem:$0x91A0] =	vst v0  }
0x3f: {  	[tilespmem:$0x91B0] =	vst v0  }
0x40: {  	[tilespmem:$0x91C0] =	vst v0  }
0x41: {  	[tilespmem:$0x91D0] =	vst v0  }
0x42: {  	[tilespmem:$0x91E0] =	vst v0  }
0x43: {  	[tilespmem:$0x91F0] =	vst v0  }
0x44: {  	[tilespmem:$0x9200] =	vst v0  }
0x45: {  	[tilespmem:$0x9210] =	vst v0  }
0x46: {  	[tilespmem:$0x9220] =	vst v0  }
0x47: {  	[tilespmem:$0x9230] =	vst v0  }
0x48: {  	[tilespmem:$0x9240] =	vst v0  }
0x49: {  	[tilespmem:$0x9250] =	vst v0  }
0x4a: {  	[tilespmem:$0x9260] =	vst v0  }
0x4b: {  	[tilespmem:$0x9270] =	vst v0  }
0x4c: {  	[tilespmem:$0x9280] =	vst v1  }
0x4d: {  	[tilespmem:$0x9290] =	vst v1  }
0x4e: {  	[tilespmem:$0x92A0] =	vst v1  }
0x4f: {  	[tilespmem:$0x92B0] =	vst v1  }
0x50: {  	[tilespmem:$0x92C0] =	vst v1  }
0x51: {  	[tilespmem:$0x92D0] =	vst v1  }
0x52: {  	[tilespmem:$0x92E0] =	vst v1  }
0x53: {  	[tilespmem:$0x92F0] =	vst v1  }
0x54: {  	[spmem:s5] =	stream.linear.scatter [tilespmem:s15], [sflag:$0x2], $0x4000, $0x38;
	[tilespmem:$0x1D580] =	vst v63  }
0x55: {  	_ =	swait.ge [sflag:s16], $0x4000  }
0x56: {  	[sflag:s16] =	ssyncset.done $0x0  }
0x57: {  	[sflag:s16] =	ssyncadd.s32 $0xFFFFC000  }
0x58: {  	[spmem:s6] =	stream.linear.scatter [tilespmem:s15], [sflag:$0x2], $0x4000, $0x38;
	[tilespmem:$0x1D580] =	vst v63  }
0x59: {  	_ =	swait.ge [sflag:s16], $0x4000  }
0x5a: {  	[sflag:s16] =	ssyncset.done $0x0  }
0x5b: {  	[sflag:s16] =	ssyncadd.s32 $0xFFFFC000  }
0x5c: {  	[spmem:s7] =	stream.linear.scatter [tilespmem:s15], [sflag:$0x2], $0x4000, $0x38;
	[tilespmem:$0x1D580] =	vst v63  }
0x5d: {  	_ =	swait.ge [sflag:s16], $0x4000  }
0x5e: {  	[sflag:s16] =	ssyncset.done $0x0  }
0x5f: {  	[sflag:s16] =	ssyncadd.s32 $0xFFFFC000  }
0x60: {  	[spmem:s8] =	stream.linear.scatter [tilespmem:s15], [sflag:$0x2], $0x4000, $0x38;
	[tilespmem:$0x1D580] =	vst v63  }
0x61: {  	_ =	swait.ge [sflag:s16], $0x4000  }
0x62: {  	[sflag:s16] =	ssyncset.done $0x0  }
0x63: {  	[sflag:s16] =	ssyncadd.s32 $0xFFFFC000  }
0x64: {  	[spmem:s9] =	stream.linear.scatter [tilespmem:s15], [sflag:$0x2], $0x4000, $0x38;
	[tilespmem:$0x1D580] =	vst v63  }
0x65: {  	_ =	swait.ge [sflag:s16], $0x4000  }
0x66: {  	[sflag:s16] =	ssyncset.done $0x0  }
0x67: {  	[sflag:s16] =	ssyncadd.s32 $0xFFFFC000  }
0x68: {  	[spmem:s10] =	stream.linear.scatter [tilespmem:s17], [sflag:$0x2], $0x280, $0x38;
	[tilespmem:$0x1D580] =	vst v63  }
0x69: {  	_ =	swait.ge [sflag:s16], $0x280  }
0x6a: {  	[sflag:s16] =	ssyncset.done $0x0  }
0x6b: {  	[sflag:s16] =	ssyncadd.s32 $0xFFFFFD80  }
0x6c: {  	s29 =	simm.s32 $0x0;
	[bflag:$0x0] =	sbarrier.arrive $0xFFFF  }
0x6d: {  	[tilespmem:s29], [sflag:$0x2] =	stream.linear.gather [hbm4b:s11+s29], $0x2800, $0x38;
	[tilespmem:$0x1D580] =	vst v63  }
0x6e: {  	_ =	swait.ge [sflag:s16], $0x2800  }
0x6f: {  	[sflag:s16] =	ssyncset.done $0x0  }
0x70: {  	[sflag:s16] =	ssyncadd.s32 $0xFFFFD800  }
0x71: {  	[tilespmem:s18], [sflag:$0x2] =	stream.linear.gather [hbm4b:s12+s29], $0x2800, $0x38;
	[tilespmem:$0x1D580] =	vst v63  }
0x72: {  	_ =	swait.ge [sflag:s16], $0x2800  }
0x73: {  	[sflag:s16] =	ssyncset.done $0x0  }
0x74: {  	s30 =	simm.s32 $0x0;
	[sflag:s16] =	ssyncadd.s32 $0xFFFFD800  }
0x75: {  	[tilespmem:s15], [sflag:$0x1] =	stream.indirect.gather [hbm4b:s4+s19], $0x80, s30, s19, $0xb8;
	[tilespmem:$0x1D580] =	vst v63  }
0x76: {  	_ =	swait.ge [sflag:s20], $0x4000  }
0x77: {  	[sflag:s20] =	ssyncset.done $0x0  }
0x78: {  	s31 =	simm.s32 $0x2800;
	[sflag:s20] =	ssyncadd.s32 $0xFFFFC000  }
0x79: {  	[spmem:s2] =	stream.indirect.scatter.add.f32 [tilespmem:s15], [sflag:$0x2], $0x80, s31, s19, $0xb8;
	[tilespmem:$0x1D580] =	vst v63  }
0x7a: {  	_ =	swait.ge [sflag:s16], $0x4000  }
0x7b: {  	s22 =	simm.s32 $0x200;
	s23 =	simm.s32 $0x400;
	[sflag:s16] =	ssyncset.done $0x0  }
.LBB2_4:
0x7c: {  	s24 =	sshra.s32 s22, $0x2  }
0x7d: {  	[sflag:s16] =	ssyncadd.s32 $0xFFFFC000;
	s22 =	smov.u32 s23;
	s25 =	sadd.s32 $0x200, s23  }
0x7e: {  	[tilespmem:s15], [sflag:$0x1] =	stream.indirect.gather [hbm4b:s4+s19], $0x80, s24, s19, $0xb8;
	[tilespmem:$0x1D580] =	vst v63  }
0x7f: {  	p0 =	sne.s32 s23, $0x9E00;
	_ =	swait.ge [sflag:s20], $0x4000  }
.Ltmp1:
0x80: {  	[sflag:s20] =	ssyncset.done $0x0;
	(pc) =	sbr.rel @p0 .LBB2_4-.Ltmp1, $4  }
0x81: {  	s23 =	sadd.s32 $0x2800, s24;
	[sflag:s20] =	ssyncadd.s32 $0xFFFFC000  }
0x82: {  	[spmem:s2] =	stream.indirect.scatter.add.f32 [tilespmem:s15], [sflag:$0x2], $0x80, s23, s19, $0xb8;
	[tilespmem:$0x1D580] =	vst v63  }
0x83: {  	_ =	swait.ge [sflag:s16], $0x4000  }
0x84: {  	s23 =	smov.u32 s25;
	[sflag:s16] =	ssyncset.done $0x0  }
0x85: {  	s22 =	sshra.s32 s22, $0x2;
	[sflag:s16] =	ssyncadd.s32 $0xFFFFC000  }
0x86: {  	[tilespmem:s15], [sflag:$0x1] =	stream.indirect.gather [hbm4b:s4+s19], $0x80, s22, s19, $0xb8;
	[tilespmem:$0x1D580] =	vst v63  }
0x87: {  	_ =	swait.ge [sflag:s20], $0x4000  }
0x88: {  	[sflag:s20] =	ssyncset.done $0x0  }
0x89: {  	s22 =	sadd.s32 $0x2800, s22;
	[sflag:s20] =	ssyncadd.s32 $0xFFFFC000  }
0x8a: {  	[spmem:s2] =	stream.indirect.scatter.add.f32 [tilespmem:s15], [sflag:$0x2], $0x80, s22, s19, $0xb8;
	[tilespmem:$0x1D580] =	vst v63  }
0x8b: {  	_ =	swait.ge [sflag:s16], $0x4000  }
0x8c: {  	s3 =	sadd.s32 $0x1, s3;
	[sflag:s16] =	ssyncset.done $0x0  }
0x8d: {  	p0 =	sne.s32 s3, s14;
	[sflag:s16] =	ssyncadd.s32 $0xFFFFC000  }
.Ltmp2:
0x8e: {  	s31 =	sshrl.u32 s5, $0x3;
	[bflag:$0x0] =	sbarrier.arrive $0xFFFF;
	(pc) =	sbr.rel @p0 .LBB2_1-.Ltmp2, $4  }
0x8f: {  	[hbm:s13], [sflag:s21] =	dma.local [spmem:s31], $0x2800  }
0x90: {  	_ =	swait.ge [sflag:s16], $0x2800  }
0x91: {  	[sflag:s16] =	ssyncset.done $0x0  }
0x92: {  	[sflag:s16] =	ssyncadd.s32 $0xFFFFD800  }
0x93: {  	_ =	sfence.sel $0x180000  }
0x94: {  	[bflag:$0x0] =	sbarrier.arrive $0xFFFF  }
0x95: {  	p0 =	sne.s32 s1, $0x0;
	_ =	strace $0x9000004D  }
0x96: {  	s0 =	sadd.s32 @!p0 $0x100000, s0;
	[bflag:$0x2] =	sbarrier.arrive $0xFFFF  }
0x97: {  	[sflag:s0] =	ssyncadd.tile.s32 @!p0 $0x1;
	_ =	shalt  }
.Lfunc_end2:
_tile_overlayer_lowered:
.L_overlay_start_2:
0x98: {  	(tag) =	ssettag $0x2  }
0x99: {  	s0 =	rddreg [dreg:$0x0];
	s2 =	stileid.u32  }
0x9a: {  	s1 =	rddreg [dreg:$0x1];
	p0 =	sne.s32 s2, $0x0  }
0x9b: {  	s3 =	rddreg [dreg:$0x2];
	[bflag:$0x3] =	sbarrier.arrive $0xFFFF;
	s2 =	simm.s32 @!p0 $0x1C02  }
0x9c: {  	[timem:s3], [sflag:s2] =	dma.local @!p0 [hbm:s0], s1  }
0x9d: {  	s0 =	simm.s32 @!p0 $0x2  }
0x9e: {  	_ =	swait.ge @!p0 [sflag:s0], s1  }
0x9f: {  	s1 =	ssub.s32 @!p0 $0x0, s1;
	[sflag:s0] =	ssyncset.done @!p0 $0x0  }
0xa0: {  	[sflag:s0] =	ssyncadd.s32 @!p0 s1  }
0xa1: {  	[bflag:$0x3] =	sbarrier.arrive $0xFFFF  }
0xa2: {  	_ =	shalt  }

// kernel: kernel.8.cloned.1.call-start
scs
__scs_entry_jumppad:
0x0: {  	(pc) =	sbr.rel $0x88, $3  }
0x1: {  	(tag) =	ssettag $0x0;
	lr =	simm.s32 $0x1  }
0x2: {  	[smem:$0x3F96] =	sst lr;
	_ =	strace $0xD0000000  }
0x3: {  	_ = 	snop  }
0x4: {  	_ = 	snop  }
0x5: {  	_ = 	snop  }
0x6: {  	_ = 	snop  }
0x7: {  	_ = 	snop  }
__scs_overlays_trampoline_lowered:
0x8: {  	[smem:$0x3FA5] =	sst s0  }
0x9: {  	[smem:$0x3FA6] =	sst s1  }
0xa: {  	[smem:$0x3FA7] =	sst s2  }
0xb: {  	[smem:$0x3FA8] =	sst s3  }
0xc: {  	[smem:$0x3FA9] =	sst s4  }
0xd: {  	[smem:$0x3FAA] =	sst s5  }
0xe: {  	[smem:$0x3FAB] =	sst s6  }
0xf: {  	[smem:$0x3FAC] =	sst s7  }
0x10: {  	[smem:$0x3FAD] =	sst s8  }
0x11: {  	[smem:$0x3FAE] =	sst s9;
	s0 =	simm.s32 @!p0 $0x0  }
0x12: {  	s1 =	sld [smem:$0x3F94];
	s0 =	simm.s32 @p0 $0x1  }
0x13: {  	[smem:$0x3FAF] =	sst s0;
	s0 =	simm.s32 @!p1 $0x0  }
0x14: {  	s2 =	sld [smem:$0x3F93];
	s0 =	simm.s32 @p1 $0x1  }
0x15: {  	[smem:$0x3FB0] =	sst s0;
	s0 =	simm.s32 @!p2 $0x0  }
0x16: {  	s3 =	sld [smem:$0x3FDB];
	s0 =	simm.s32 @p2 $0x1  }
0x17: {  	s4 =	simm.s32 $0x1BF5;
	[smem:$0x3FB2] =	sst s0  }
0x18: {  	s0 =	sld [smem:$0x3F95];
	_ =	swait.ge [sflag:s4], $0x0  }
0x19: {  	s7 =	sld [smem:$0x3F96]  }
0x1a: {  	s8 =	sadd.s32 $0xFFFFE003, lr  }
0x1b: {  	s9 =	sadd.s32 $0xFFFFFEF7, lr;
	s5 =	simm.s32 $0xFFFFFFFF;
	p2 =	slt.u32 s8, $0xFFFFF086  }
0x1c: {  	p1 =	slt.u32 s9, $0xF7A;
	s5 =	simm.s32 @!p2 $0x0  }
0x1d: {  	s5 =	simm.s32 @p1 $0x1;
	p0 =	seq.s32 s7, s2  }
0x1e: {  	s7 =	smul.u32 @!p0 $0xF7A, s2;
	p2 =	seq.s32 @!p0 s5, $0x0  }
0x1f: {  	s9 =	smul.u32 $0xF7A, s1;
	s8 =	simm.s32 @!p0 $0x1BF5;
	p2 =	por !p2, p0  }
0x20: {  	[sflag:s8] =	ssyncset.s32 @!p0 $0xFFFFF086;
	s6 =	sadd.s32 @!p0 s3, s7;
	s7 =	simm.s32 @!p0 $0x108  }
0x21: {  	s3 =	sadd.s32 s3, s9;
	s6 =	sadd.s32 @!p0 $0x88, s6;
	s7 =	simm.s32 @p2 $0x1082  }
0x22: {  	[simem:s7], [sflag:s8] =	dma.local @!p0 [hbm:s6], $0xF7A  }
0x23: {  	s9 =	sor.u32 $0xD0000000, s2;
	s6 =	simm.s32 $0x108;
	_ =	swait.ge @!p0 [sflag:s8], $0x0  }
0x24: {  	s3 =	sadd.s32 $0x88, s3;
	s6 =	simm.s32 @!p1 $0x1082;
	[sflag:s4] =	ssyncset.s32 $0xFFFFF086  }
0x25: {  	[simem:s6], [sflag:s4] =	dma.local [hbm:s3], $0xF7A  }
0x26: {  	[smem:$0x3F96] =	sst s1;
	(tag) =	ssettag s2;
	_ =	strace s9  }
0x27: {  	s1 =	sld [smem:$0x3FA6]  }
0x28: {  	s2 =	sld [smem:$0x3FA7]  }
0x29: {  	s4 =	sld [smem:$0x3FA9]  }
0x2a: {  	p0 =	seq.s32 s5, $0x0;
	s5 =	sld [smem:$0x3FAA]  }
0x2b: {  	s6 =	sld [smem:$0x3FAB]  }
0x2c: {  	s7 =	sld [smem:$0x3FAC]  }
0x2d: {  	s3 =	simm.s32 $0x108;
	s8 =	sld [smem:$0x3FAD]  }
0x2e: {  	s3 =	simm.s32 @!p0 $0x1082;
	s9 =	sld [smem:$0x3FAE]  }
0x2f: {  	lr =	sadd.s32 s0, s3;
	s0 =	sld [smem:$0x3FA5]  }
0x30: {  	s3 =	sld [smem:$0x3FA8]  }
0x31: {  	[smem:$0x3FB1] =	sst s10  }
0x32: {  	s10 =	sld [smem:$0x3FAF];
	_ =	sdelay $0x3  }
0x33: {  	p0 =	seq.s32 s10, $0x1;
	s10 =	sld [smem:$0x3FB1];
	_ =	sdelay $0x3  }
0x34: {  	[smem:$0x3FB1] =	sst s10  }
0x35: {  	s10 =	sld [smem:$0x3FB0];
	_ =	sdelay $0x3  }
0x36: {  	p1 =	seq.s32 s10, $0x1;
	s10 =	sld [smem:$0x3FB1];
	_ =	sdelay $0x3  }
0x37: {  	[smem:$0x3FB1] =	sst s10  }
0x38: {  	s10 =	sld [smem:$0x3FB2]  }
0x39: {  	_ = 	snop;
	(pc) =	sbr.ind lr, $3  }
0x3a: {  	_ = 	snop  }
0x3b: {  	_ = 	snop  }
0x3c: {  	p2 =	seq.s32 s10, $0x1;
	s10 =	sld [smem:$0x3FB1]  }
0x3d: {  	_ =	shalt  }
0x3e: {  	_ =	shalt  }
0x3f: {  	_ =	shalt  }
0x40: {  	_ =	shalt  }
0x41: {  	_ =	shalt  }
0x42: {  	_ =	shalt  }
0x43: {  	_ =	shalt  }
0x44: {  	_ =	shalt  }
0x45: {  	_ =	shalt  }
0x46: {  	_ =	shalt  }
0x47: {  	_ =	shalt  }
0x48: {  	_ =	shalt  }
0x49: {  	_ =	shalt  }
0x4a: {  	_ =	shalt  }
0x4b: {  	_ =	shalt  }
0x4c: {  	_ =	shalt  }
0x4d: {  	_ =	shalt  }
0x4e: {  	_ =	shalt  }
0x4f: {  	_ =	shalt  }
0x50: {  	_ =	shalt  }
0x51: {  	_ =	shalt  }
0x52: {  	_ =	shalt  }
0x53: {  	_ =	shalt  }
0x54: {  	_ =	shalt  }
0x55: {  	_ =	shalt  }
0x56: {  	_ =	shalt  }
0x57: {  	_ =	shalt  }
0x58: {  	_ =	shalt  }
0x59: {  	_ =	shalt  }
0x5a: {  	_ =	shalt  }
0x5b: {  	_ =	shalt  }
0x5c: {  	_ =	shalt  }
0x5d: {  	_ =	shalt  }
0x5e: {  	_ =	shalt  }
0x5f: {  	_ =	shalt  }
0x60: {  	_ =	shalt  }
0x61: {  	_ =	shalt  }
0x62: {  	_ =	shalt  }
0x63: {  	_ =	shalt  }
0x64: {  	_ =	shalt  }
0x65: {  	_ =	shalt  }
0x66: {  	_ =	shalt  }
0x67: {  	_ =	shalt  }
0x68: {  	_ =	shalt  }
0x69: {  	_ =	shalt  }
0x6a: {  	_ =	shalt  }
0x6b: {  	_ =	shalt  }
0x6c: {  	_ =	shalt  }
0x6d: {  	_ =	shalt  }
0x6e: {  	_ =	shalt  }
0x6f: {  	_ =	shalt  }
0x70: {  	_ =	shalt  }
0x71: {  	_ =	shalt  }
0x72: {  	_ =	shalt  }
0x73: {  	_ =	shalt  }
0x74: {  	_ =	shalt  }
0x75: {  	_ =	shalt  }
0x76: {  	_ =	shalt  }
0x77: {  	_ =	shalt  }
0x78: {  	_ =	shalt  }
0x79: {  	_ =	shalt  }
0x7a: {  	_ =	shalt  }
0x7b: {  	_ =	shalt  }
0x7c: {  	_ =	shalt  }
0x7d: {  	_ =	shalt  }
0x7e: {  	_ =	shalt  }
0x7f: {  	_ =	shalt  }
0x80: {  	_ =	shalt  }
0x81: {  	_ =	shalt  }
0x82: {  	_ =	shalt  }
0x83: {  	_ =	shalt  }
0x84: {  	_ =	shalt  }
0x85: {  	_ =	shalt  }
0x86: {  	_ =	shalt  }
0x87: {  	_ =	shalt  }
.Lfunc_end0:
.L_simem_size_0:
called_computation_lowered:
.L_overlay_start_0:
0x88: {  	s2 =	sld [smem:$0x3FD9]  }
0x89: {  	s3 =	sld [smem:$0x3FFE];
	_ =	sdelay $0x1  }
0x8a: {  	s1 =	srdreg.scid  }
0x8b: {  	s0 =	sand.u32 $0x1, s1  }
0x8c: {  	s17 =	sshll.u32 s0, $0xA;
	s2 =	sadd.s32 s3, s2  }
0x8d: {  	s2 =	sadd.s32 s2, s17  }
0x8e: {  	[smem:$0x3FBD] =	sst s2  }
0x8f: {  	_ = 	snop  }
0x90: {  	s2 =	sld [smem:$0x3FD0];
	(tm) =	ssettm $0x1  }
0x91: {  	s18 =	sld [smem:$0x3FFB];
	_ =	sdelay $0x3  }
0x92: {  	_ =	strace s18  }
0x93: {  	s3 =	sld [smem:$0x3FFC];
	_ =	sdelay $0x3  }
0x94: {  	_ =	strace s3  }
0x95: {  	s3 =	sld [smem:$0x3FFD];
	_ =	sdelay $0x3  }
0x96: {  	_ =	strace s3  }
0x97: {  	_ =	strace $0x8FFFFFFF  }
0x98: {  	s19 =	sld [smem:$0x3FDB];
	_ =	sdelay $0x1  }
0x99: {  	s4 =	simm.s32 $_scs_section_size  }
0x9a: {  	s5 =	simm.s32 $_size__tile_overlayer_lowered;
	s6 =	simm.s32 $_tile_overlayer_lowered  }
0x9b: {  	s22 =	simm.s32 $0x1BFF;
	s21 =	sshll.u32 s6, $0x1;
	s3 =	sadd.s32 s4, s19  }
0x9c: {  	s7 =	simm.s32 $0x0;
	s20 =	sshll.u32 s5, $0x1;
	s5 =	sadd.s32 s21, s3  }
0x9d: {  	[timem:s7], [sflag:s22] =	dma.local [hbm:s5], s20  }
0x9e: {  	_ =	swait.ge [sflag:s22], s20  }
0x9f: {  	s4 =	ssub.s32 $0x0, s20;
	[sflag:s22] =	ssyncset.done $0x0  }
0xa0: {  	[sflag:s22] =	ssyncadd.s32 s4;
	_ =	sdelay $0x1  }
0xa1: {  	s23 =	simm.s32 $0x1B8B  }
0xa2: {  	_ =	swait.ge [sflag:s23], $0x1  }
0xa3: {  	[sflag:s23] =	ssyncset.done $0x0  }
0xa4: {  	s25 =	simm.s32 $0x1B8E;
	s24 =	sld [smem:$0x3FFE];
	[sflag:s23] =	ssyncadd.s32 $0xFFFFFFFF  }
0xa5: {  	s26 =	simm.s32 $execute0_lowered;
	[smem:$0x3FD2] =	sst s25  }
0xa6: {  	s5 =	sshll.u32 s26, $0x1;
	_ =	strace $0x80000046;
	[dreg:$0x1] =	wrdreg $0xFFFFFFFF  }
0xa7: {  	s28 =	simm.s32 $_size_execute0_lowered;
	s3 =	sadd.s32 s3, s5;
	[dreg:$0x0] =	wrdreg $0x0  }
0xa8: {  	s5 =	sshll.u32 s28, $0x1;
	[dreg:$0x2] =	wrdreg s3  }
0xa9: {  	[dreg:$0x3] =	wrdreg s5  }
0xaa: {  	[dreg:$0x4] =	wrdreg $0xC0  }
0xab: {  	_ =	task [dreg:s7], $0x5FFFF  }
0xac: {  	[dreg:$0x1] =	wrdreg $0xFFFFFFFF  }
0xad: {  	[dreg:$0x0] =	wrdreg $0x60  }
0xae: {  	[dreg:$0x2] =	wrdreg s24  }
0xaf: {  	[dreg:$0x3] =	wrdreg s2  }
0xb0: {  	[dreg:$0x4] =	wrdreg $0x93000  }
0xb1: {  	[dreg:$0x5] =	wrdreg $0x1D3000  }
0xb2: {  	[dreg:$0x6] =	wrdreg $0x9  }
0xb3: {  	_ =	task.clear_ibuf [dreg:s7], $0x7FFFF;
	_ =	strace $0x90000046  }
0xb4: {  	s29 =	simm.s32 $0x9;
	_ =	strace $0x80000048  }
0xb5: {  	_ =	swait.ge [sflag:s29], $0x1  }
0xb6: {  	[sflag:s29] =	ssyncadd.s32 $0xFFFFFFFF  }
0xb7: {  	_ =	strace $0x90000048  }
0xb8: {  	_ =	sfence  }
0xb9: {  	s30 =	sld [smem:$0x0];
	_ =	sdelay $0x2  }
0xba: {  	s31 =	sshll.u32 s1, $0xD;
	s1 =	sshrl.u32 s1, $0x2  }
0xbb: {  	s3 =	sand.u32 $0x4000, s31;
	s1 =	sadd.s32 s1, s30  }
0xbc: {  	s0 =	sor.u32 s3, s0;
	s1 =	sshll.u32 s1, $0x11  }
0xbd: {  	s0 =	sor.u32 s1, s0  }
0xbe: {  	s0 =	sadd.s32 $0x8F2B, s0  }
0xbf: {  	[sflag:s0] =	ssyncadd.remote.s32 $0x1  }
0xc0: {  	_ =	sfence.sel $0xFFFF  }
0xc1: {  	[dreg:$0x0] =	wrdreg $0xFFFFFFFF;
	(pc) =	sbr.abs _section_cstart, $3  }
0xc2: {  	[dreg:$0x1] =	wrdreg $0xFFFFFFFF  }
0xc3: {  	_ =	task.clear_ibuf [dreg:s7], $0x2FFFF;
	_ =	strace $0x9FFFFFFF  }
0xc4: {  	(tm) =	ssettm $0x7FFFFFFF  }
0xc5: {  	_ =	shalt  }
tec
execute0_lowered:
.L_overlay_start_1:
0x0: {  	(tag) =	ssettag $0x1  }
0x1: {  	s6 =	rddreg [dreg:$0x0]  }
0x2: {  	s12 =	rddreg [dreg:$0x1]  }
0x3: {  	s1 =	rddreg [dreg:$0x2]  }
0x4: {  	s2 =	rddreg [dreg:$0x3];
	s3 =	srdreg.scid  }
0x5: {  	s0 =	rddreg [dreg:$0x4];
	s4 =	simm.s32 $0x0;
	s21 =	sand.u32 $0x1, s3  }
0x6: {  	s18 =	simm.s32 $0x2;
	s3 =	stileid.u32;
	s7 =	smul.u32 $0x140000, s21  }
0x7: {  	s19 =	simm.s32 $0x9000;
	s20 =	simm.s32 $0x2800;
	s8 =	smul.u32 $0x14000, s3  }
0x8: {  	s22 =	simm.s32 $0x1;
	s23 =	simm.s32 $0x3;
	s9 =	smul.u32 $0x2800, s3  }
0x9: {  	[smem:$0x7FF] =	sst s4;
	s5 =	sadd.s32 $0x7000, s6;
	s11 =	smul.u32 $0x280, s3  }
0xa: {  	_ =	strace $0x80000047;
	s10 =	smul.u32 $0x50000, s3;
	s29 =	ssub.s32 $0x2, s21  }
0xb: {  	s15 =	smul.u32 $0x28000, s21;
	p0 =	sne.s32 s21, $0x0;
	s21 =	simm.s32 $0x80  }
0xc: {  	s30 =	sshrl.u32 s29, $0x1;
	s7 =	sadd.s32 s8, s7;
	s26 =	sshrl.u32 s9, $0x3  }
0xd: {  	s28 =	sshrl.u32 s11, $0x3;
	s10 =	sshrl.u32 s10, $0x2;
	s17 =	ssub.s32 s29, s30  }
0xe: {  	s31 =	sadd.s32 s9, s15;
	s11 =	sadd.s32 s11, s2;
	s7 =	sshrl.u32 s7, $0x3  }
0xf: {  	s13 =	sadd.s32 s26, s6;
	s16 =	sadd.s32 s28, s6;
	s15 =	sshrl.u32 s31, $0x3  }
0x10: {  	s14 =	sadd.s32 s7, s6;
	s6 =	sadd.s32 s10, s1;
	s12 =	sadd.s32 s12, s15  }
0x11: {  	s13 =	sadd.s32 $0x2000, s13;
	s15 =	sadd.s32 $0x57000, s16;
	s16 =	smax.u32 s17, $0x1  }
0x12: {  	s17 =	simm.s32 $0x5000;
	s7 =	sadd.s32 $0x4000, s6;
	s8 =	sadd.s32 $0x8000, s6  }
0x13: {  	v0 =	vimm.f32 $0.0e+00;
	v1 =	vimm.f32 $1.000000000e+00;
	s9 =	sadd.s32 $0xC000, s6;
	s10 =	sadd.s32 $0x10000, s6;
	s14 =	sadd.s32 $0x57600, s14  }
.LBB2_1:
0x14: {  	s24 =	simm.s32 $0x0;
	s25 =	simm.s32 $0x200  }
.LBB2_2:
0x15: {  	p1 =	sne.s32 s25, $0xFE00;
	[tilespmem:s24+$0x5070] =	vst v0  }
0x16: {  	[tilespmem:s24+$0x5000] =	vst v0  }
0x17: {  	[tilespmem:s24+$0x5010] =	vst v0  }
.Ltmp0:
0x18: {  	[tilespmem:s24+$0x5020] =	vst v0;
	(pc) =	sbr.rel @p1 .LBB2_2-.Ltmp0, $4  }
0x19: {  	[tilespmem:s24+$0x5030] =	vst v0  }
0x1a: {  	[tilespmem:s24+$0x5040] =	vst v0  }
0x1b: {  	[tilespmem:s24+$0x5050] =	vst v0  }
0x1c: {  	[tilespmem:s24+$0x5060] =	vst v0;
	s24 =	sshra.s32 s25, $0x2;
	s25 =	sadd.s32 $0x200, s25  }
0x1d: {  	[tilespmem:s24+$0x5070] =	vst v0  }
0x1e: {  	[tilespmem:s24+$0x5000] =	vst v0  }
0x1f: {  	[tilespmem:s24+$0x5010] =	vst v0  }
0x20: {  	[tilespmem:s24+$0x5020] =	vst v0  }
0x21: {  	[tilespmem:s24+$0x5030] =	vst v0  }
0x22: {  	[tilespmem:s24+$0x5040] =	vst v0  }
0x23: {  	[tilespmem:s24+$0x5050] =	vst v0  }
0x24: {  	[tilespmem:s24+$0x5060] =	vst v0  }
0x25: {  	[tilespmem:$0x9000] =	vst v0  }
0x26: {  	[tilespmem:$0x9010] =	vst v0  }
0x27: {  	[tilespmem:$0x9020] =	vst v0  }
0x28: {  	[tilespmem:$0x9030] =	vst v0  }
0x29: {  	[tilespmem:$0x9040] =	vst v0  }
0x2a: {  	[tilespmem:$0x9050] =	vst v0  }
0x2b: {  	[tilespmem:$0x9060] =	vst v0  }
0x2c: {  	[tilespmem:$0x9070] =	vst v0  }
0x2d: {  	[tilespmem:$0x9080] =	vst v0  }
0x2e: {  	[tilespmem:$0x9090] =	vst v0  }
0x2f: {  	[tilespmem:$0x90A0] =	vst v0  }
0x30: {  	[tilespmem:$0x90B0] =	vst v0  }
0x31: {  	[tilespmem:$0x90C0] =	vst v0  }
0x32: {  	[tilespmem:$0x90D0] =	vst v0  }
0x33: {  	[tilespmem:$0x90E0] =	vst v0  }
0x34: {  	[tilespmem:$0x90F0] =	vst v0  }
0x35: {  	[tilespmem:$0x9100] =	vst v0  }
0x36: {  	[tilespmem:$0x9110] =	vst v0  }
0x37: {  	[tilespmem:$0x9120] =	vst v0  }
0x38: {  	[tilespmem:$0x9130] =	vst v0  }
0x39: {  	[tilespmem:$0x9140] =	vst v0  }
0x3a: {  	[tilespmem:$0x9150] =	vst v0  }
0x3b: {  	[tilespmem:$0x9160] =	vst v0  }
0x3c: {  	[tilespmem:$0x9170] =	vst v0  }
0x3d: {  	[tilespmem:$0x9180] =	vst v0  }
0x3e: {  	[tilespmem:$0x9190] =	vst v0  }
0x3f: {  	[tilespmem:$0x91A0] =	vst v0  }
0x40: {  	[tilespmem:$0x91B0] =	vst v0  }
0x41: {  	[tilespmem:$0x91C0] =	vst v0  }
0x42: {  	[tilespmem:$0x91D0] =	vst v0  }
0x43: {  	[tilespmem:$0x91E0] =	vst v0  }
0x44: {  	[tilespmem:$0x91F0] =	vst v0  }
0x45: {  	[tilespmem:$0x9200] =	vst v0  }
0x46: {  	[tilespmem:$0x9210] =	vst v0  }
0x47: {  	[tilespmem:$0x9220] =	vst v0  }
0x48: {  	[tilespmem:$0x9230] =	vst v0  }
0x49: {  	[tilespmem:$0x9240] =	vst v0  }
0x4a: {  	[tilespmem:$0x9250] =	vst v0  }
0x4b: {  	[tilespmem:$0x9260] =	vst v0  }
0x4c: {  	[tilespmem:$0x9270] =	vst v0  }
0x4d: {  	[tilespmem:$0x9280] =	vst v1  }
0x4e: {  	[tilespmem:$0x9290] =	vst v1  }
0x4f: {  	[tilespmem:$0x92A0] =	vst v1  }
0x50: {  	[tilespmem:$0x92B0] =	vst v1  }
0x51: {  	[tilespmem:$0x92C0] =	vst v1  }
0x52: {  	[tilespmem:$0x92D0] =	vst v1  }
0x53: {  	[tilespmem:$0x92E0] =	vst v1  }
0x54: {  	[tilespmem:$0x92F0] =	vst v1  }
0x55: {  	[spmem:s6] =	stream.linear.scatter [tilespmem:s17], [sflag:$0x2], $0x4000, $0x38;
	[tilespmem:$0x1D580] =	vst v63  }
0x56: {  	_ =	swait.ge [sflag:s18], $0x4000  }
0x57: {  	[sflag:s18] =	ssyncset.done $0x0  }
0x58: {  	[sflag:s18] =	ssyncadd.s32 $0xFFFFC000  }
0x59: {  	[spmem:s7] =	stream.linear.scatter [tilespmem:s17], [sflag:$0x2], $0x4000, $0x38;
	[tilespmem:$0x1D580] =	vst v63  }
0x5a: {  	_ =	swait.ge [sflag:s18], $0x4000  }
0x5b: {  	[sflag:s18] =	ssyncset.done $0x0  }
0x5c: {  	[sflag:s18] =	ssyncadd.s32 $0xFFFFC000  }
0x5d: {  	[spmem:s8] =	stream.linear.scatter [tilespmem:s17], [sflag:$0x2], $0x4000, $0x38;
	[tilespmem:$0x1D580] =	vst v63  }
0x5e: {  	_ =	swait.ge [sflag:s18], $0x4000  }
0x5f: {  	[sflag:s18] =	ssyncset.done $0x0  }
0x60: {  	[sflag:s18] =	ssyncadd.s32 $0xFFFFC000  }
0x61: {  	[spmem:s9] =	stream.linear.scatter [tilespmem:s17], [sflag:$0x2], $0x4000, $0x38;
	[tilespmem:$0x1D580] =	vst v63  }
0x62: {  	_ =	swait.ge [sflag:s18], $0x4000  }
0x63: {  	[sflag:s18] =	ssyncset.done $0x0  }
0x64: {  	[sflag:s18] =	ssyncadd.s32 $0xFFFFC000  }
0x65: {  	[spmem:s10] =	stream.linear.scatter [tilespmem:s17], [sflag:$0x2], $0x4000, $0x38;
	[tilespmem:$0x1D580] =	vst v63  }
0x66: {  	_ =	swait.ge [sflag:s18], $0x4000  }
0x67: {  	[sflag:s18] =	ssyncset.done $0x0  }
0x68: {  	[sflag:s18] =	ssyncadd.s32 $0xFFFFC000  }
0x69: {  	[spmem:s11] =	stream.linear.scatter [tilespmem:s19], [sflag:$0x2], $0x280, $0x38;
	[tilespmem:$0x1D580] =	vst v63  }
0x6a: {  	_ =	swait.ge [sflag:s18], $0x280  }
0x6b: {  	[sflag:s18] =	ssyncset.done $0x0  }
0x6c: {  	[sflag:s18] =	ssyncadd.s32 $0xFFFFFD80  }
0x6d: {  	s30 =	simm.s32 $0x0;
	[bflag:$0x0] =	sbarrier.arrive $0xFFFF  }
0x6e: {  	[tilespmem:s30], [sflag:$0x2] =	stream.linear.gather [hbm4b:s12+s30], $0x2800, $0x38;
	[tilespmem:$0x1D580] =	vst v63  }
0x6f: {  	_ =	swait.ge [sflag:s18], $0x2800  }
0x70: {  	[sflag:s18] =	ssyncset.done $0x0  }
0x71: {  	[sflag:s18] =	ssyncadd.s32 $0xFFFFD800  }
0x72: {  	[tilespmem:s20], [sflag:$0x2] =	stream.linear.gather [hbm4b:s13+s30], $0x2800, $0x38;
	[tilespmem:$0x1D580] =	vst v63  }
0x73: {  	_ =	swait.ge [sflag:s18], $0x2800  }
0x74: {  	[sflag:s18] =	ssyncset.done $0x0  }
0x75: {  	s31 =	simm.s32 $0x0;
	[sflag:s18] =	ssyncadd.s32 $0xFFFFD800  }
0x76: {  	[tilespmem:s17], [sflag:$0x1] =	stream.indirect.gather [hbm4b:s5+s21], $0x80, s31, s21, $0xb8;
	[tilespmem:$0x1D580] =	vst v63  }
0x77: {  	_ =	swait.ge [sflag:s22], $0x4000  }
0x78: {  	[sflag:s22] =	ssyncset.done $0x0  }
0x79: {  	s28 =	simm.s32 $0x2800;
	[sflag:s22] =	ssyncadd.s32 $0xFFFFC000  }
0x7a: {  	[spmem:s1] =	stream.indirect.scatter.add.f32 [tilespmem:s17], [sflag:$0x3], $0x80, s28, s21, $0xb8;
	[tilespmem:$0x1D580] =	vst v63  }
0x7b: {  	_ =	swait.ge [sflag:s23], $0x4000  }
0x7c: {  	s24 =	simm.s32 @!p0 $0x2;
	[sflag:s23] =	ssyncset.done $0x0  }
0x7d: {  	s25 =	simm.s32 @!p0 $0x80;
	s26 =	simm.s32 @!p0 $0x9280;
	[sflag:s23] =	ssyncadd.s32 $0xFFFFC000  }
0x7e: {  	[spmem:s2] =	stream.indirect.scatter.add.f32 @!p0 [tilespmem:s26], [sflag:$0x2], $0x1, s28, s25, $0xb8;
	[tilespmem:$0x1D580] =	vst v63  }
0x7f: {  	_ =	swait.ge @!p0 [sflag:s24], $0x80  }
0x80: {  	s29 =	simm.s32 $0x400;
	s28 =	simm.s32 $0x200;
	[sflag:s24] =	ssyncset.done @!p0 $0x0  }
.LBB2_4:
0x81: {  	s30 =	sshra.s32 s28, $0x2  }
0x82: {  	[sflag:s24] =	ssyncadd.s32 @!p0 $0xFFFFFF80;
	s28 =	smov.u32 s29;
	s29 =	sadd.s32 $0x200, s29  }
0x83: {  	[tilespmem:s17], [sflag:$0x1] =	stream.indirect.gather [hbm4b:s5+s21], $0x80, s30, s21, $0xb8;
	[tilespmem:$0x1D580] =	vst v63  }
0x84: {  	p1 =	sne.s32 s29, $0xA000;
	_ =	swait.ge [sflag:s22], $0x4000  }
0x85: {  	[sflag:s22] =	ssyncset.done $0x0  }
0x86: {  	s30 =	sadd.s32 $0x2800, s30;
	[sflag:s22] =	ssyncadd.s32 $0xFFFFC000  }
0x87: {  	[spmem:s1] =	stream.indirect.scatter.add.f32 [tilespmem:s17], [sflag:$0x3], $0x80, s30, s21, $0xb8;
	[tilespmem:$0x1D580] =	vst v63  }
0x88: {  	_ =	swait.ge [sflag:s23], $0x4000  }
.Ltmp1:
0x89: {  	[sflag:s23] =	ssyncset.done $0x0;
	(pc) =	sbr.rel @p1 .LBB2_4-.Ltmp1, $4  }
0x8a: {  	[sflag:s23] =	ssyncadd.s32 $0xFFFFC000  }
0x8b: {  	[spmem:s2] =	stream.indirect.scatter.add.f32 @!p0 [tilespmem:s26], [sflag:$0x2], $0x1, s30, s25, $0xb8;
	[tilespmem:$0x1D580] =	vst v63  }
0x8c: {  	_ =	swait.ge @!p0 [sflag:s24], $0x80  }
0x8d: {  	[sflag:s24] =	ssyncset.done @!p0 $0x0  }
0x8e: {  	s25 =	sshra.s32 s28, $0x2;
	[sflag:s24] =	ssyncadd.s32 @!p0 $0xFFFFFF80  }
0x8f: {  	[tilespmem:s17], [sflag:$0x1] =	stream.indirect.gather [hbm4b:s5+s21], $0x80, s25, s21, $0xb8;
	[tilespmem:$0x1D580] =	vst v63  }
0x90: {  	_ =	swait.ge [sflag:s22], $0x4000  }
0x91: {  	[sflag:s22] =	ssyncset.done $0x0  }
0x92: {  	s24 =	sadd.s32 $0x2800, s25;
	[sflag:s22] =	ssyncadd.s32 $0xFFFFC000  }
0x93: {  	[spmem:s1] =	stream.indirect.scatter.add.f32 [tilespmem:s17], [sflag:$0x3], $0x80, s24, s21, $0xb8;
	[tilespmem:$0x1D580] =	vst v63  }
0x94: {  	_ =	swait.ge [sflag:s23], $0x4000  }
0x95: {  	s26 =	simm.s32 @!p0 $0x80;
	[sflag:s23] =	ssyncset.done $0x0  }
0x96: {  	s28 =	simm.s32 @!p0 $0x9280;
	s25 =	simm.s32 @!p0 $0x2;
	[sflag:s23] =	ssyncadd.s32 $0xFFFFC000  }
0x97: {  	[spmem:s2] =	stream.indirect.scatter.add.f32 @!p0 [tilespmem:s28], [sflag:$0x2], $0x1, s24, s26, $0xb8;
	[tilespmem:$0x1D580] =	vst v63  }
0x98: {  	_ =	swait.ge @!p0 [sflag:s25], $0x80  }
0x99: {  	[sflag:s25] =	ssyncset.done @!p0 $0x0  }
0x9a: {  	s30 =	sshll.u32 s3, $0x6;
	[sflag:s25] =	ssyncadd.s32 @!p0 $0xFFFFFF80  }
0x9b: {  	s31 =	sshrl.u32 s6, $0x3;
	s24 =	sor.u32 $0x1C02, s30;
	[bflag:$0x0] =	sbarrier.arrive $0xFFFF  }
0x9c: {  	[hbm:s14], [sflag:s24] =	dma.local [spmem:s31], $0x2800  }
0x9d: {  	s4 =	sadd.s32 $0x1, s4;
	_ =	swait.ge [sflag:s18], $0x2800  }
0x9e: {  	p1 =	sne.s32 s4, s16;
	[sflag:s18] =	ssyncset.done $0x0  }
.Ltmp2:
0x9f: {  	s26 =	sshrl.u32 @!p0 s11, $0x3;
	[sflag:s18] =	ssyncadd.s32 $0xFFFFD800;
	(pc) =	sbr.rel @p1 .LBB2_1-.Ltmp2, $4  }
0xa0: {  	[hbm:s15], [sflag:s24] =	dma.local @!p0 [spmem:s26], $0x50  }
0xa1: {  	_ =	swait.ge @!p0 [sflag:s25], $0x50  }
0xa2: {  	[sflag:s25] =	ssyncset.done @!p0 $0x0  }
0xa3: {  	[sflag:s25] =	ssyncadd.s32 @!p0 $0xFFFFFFB0  }
0xa4: {  	_ =	sfence.sel $0x180000  }
0xa5: {  	[bflag:$0x0] =	sbarrier.arrive $0xFFFF  }
0xa6: {  	p0 =	sne.s32 s3, $0x0;
	_ =	strace $0x90000047  }
0xa7: {  	s0 =	sadd.s32 @!p0 $0x100000, s0;
	[bflag:$0x2] =	sbarrier.arrive $0xFFFF  }
0xa8: {  	[sflag:s0] =	ssyncadd.tile.s32 @!p0 $0x1;
	_ =	shalt  }
.Lfunc_end2:
_tile_overlayer_lowered:
.L_overlay_start_2:
0xa9: {  	(tag) =	ssettag $0x2  }
0xaa: {  	s0 =	rddreg [dreg:$0x0];
	s2 =	stileid.u32  }
0xab: {  	s1 =	rddreg [dreg:$0x1];
	p0 =	sne.s32 s2, $0x0  }
0xac: {  	s3 =	rddreg [dreg:$0x2];
	[bflag:$0x3] =	sbarrier.arrive $0xFFFF;
	s2 =	simm.s32 @!p0 $0x1C02  }
0xad: {  	[timem:s3], [sflag:s2] =	dma.local @!p0 [hbm:s0], s1  }
0xae: {  	s0 =	simm.s32 @!p0 $0x2  }
0xaf: {  	_ =	swait.ge @!p0 [sflag:s0], s1  }
0xb0: {  	s1 =	ssub.s32 @!p0 $0x0, s1;
	[sflag:s0] =	ssyncset.done @!p0 $0x0  }
0xb1: {  	[sflag:s0] =	ssyncadd.s32 @!p0 s1  }
0xb2: {  	[bflag:$0x3] =	sbarrier.arrive $0xFFFF  }
0xb3: {  	_ =	shalt  }

</sc_bundles>
